<compile_context>
chip_gen: v7x
topology: tpu7x:2x2x1
jax: 0.10.2.dev20260603
libtpu: 0.0.44.dev20260713+nightly
codegen_flags: <defaults>
</compile_context>

<pallas_src>
import functools

import jax
import jax.numpy as jnp
from jax import lax
from jax.experimental import pallas as pl
from jax.experimental.pallas import tpu as pltpu
from jax.experimental.pallas import tpu_sc as plsc

_EPS = 1e-12


def _sc_gather_rows(tbl, row_ids):
    _, w = tbl.shape
    bt = row_ids.shape[0]
    nc, ns = 2, 16
    nw = nc * ns
    b_per_w = bt // nw
    ch = 128
    n_ch = b_per_w // ch
    mesh = plsc.VectorSubcoreMesh(core_axis_name="c", subcore_axis_name="s")

    @functools.partial(
        pl.kernel,
        mesh=mesh,
        compiler_params=pltpu.CompilerParams(use_tc_tiling_on_sc=False),
        out_type=jax.ShapeDtypeStruct((bt, w), jnp.float32),
        scratch_types=[
            pltpu.VMEM((b_per_w,), jnp.int32),
            pltpu.VMEM((2, ch, w), jnp.float32),
            pltpu.SemaphoreType.DMA,
            pltpu.SemaphoreType.DMA,
        ],
    )
    def gk(idx_hbm, tbl_hbm, out_hbm, idx_v, bufs, sem0, sem1):
        wid = lax.axis_index("s") * nc + lax.axis_index("c")
        base = wid * b_per_w
        pltpu.sync_copy(idx_hbm.at[pl.ds(base, b_per_w)], idx_v)
        sems = (sem0, sem1)

        def fire(c, slot):
            return pltpu.async_copy(
                tbl_hbm.at[idx_v.at[pl.ds(c * ch, ch)]],
                bufs.at[slot],
                sems[slot],
            )

        def step(c, slot):
            pltpu.make_async_copy(
                tbl_hbm.at[idx_v.at[pl.ds(c * ch, ch)]], bufs.at[slot], sems[slot]
            ).wait()
            pltpu.sync_copy(bufs.at[slot], out_hbm.at[pl.ds(base + c * ch, ch)])
            nxt = c + 2
            @pl.when(nxt < n_ch)
            def _():
                fire(nxt, slot)

        fire(0, 0)
        fire(1, 1)

        def body(c):
            step(2 * c, 0)
            step(2 * c + 1, 1)

        pl.loop(0, n_ch // 2)(body)

    return gk(row_ids, tbl)


def _tc_fused(ze, codebook, tile=2048):
    bt, d = ze.shape
    k_sz, _ = codebook.shape
    nt = bt // tile

    def body(pad_ref, cb_ref, phi_ref, k_ref, commit_ref, perp_ref,
             acc_ref, csum_ref):
        i = pl.program_id(0)
        ze = pad_ref[...]
        cb = cb_ref[...]
        zn = jnp.sqrt(jnp.sum(ze * ze, axis=1, keepdims=True))
        zf = ze / jnp.maximum(zn, _EPS)
        cn = jnp.sqrt(jnp.sum(cb * cb, axis=1, keepdims=True))
        cbn = cb / jnp.maximum(cn, _EPS)
        sim = lax.dot_general(
            zf, cbn, (((1,), (1,)), ((), ())),
            preferred_element_type=jnp.float32,
            precision=lax.Precision.DEFAULT,
        )
        m = jnp.max(sim, axis=1, keepdims=True)
        col = lax.broadcasted_iota(jnp.int32, sim.shape, 1)
        kk = jnp.min(jnp.where(sim == m, col, k_sz), axis=1)
        k_ref[...] = kk
        e = jnp.exp(sim)
        s = jnp.sum(e, axis=1, keepdims=True)
        part = jnp.sum(e / s, axis=0)[None, :]
        oh = (col == kk[:, None]).astype(jnp.float32)
        zq = lax.dot_general(
            oh, cb, (((1,), (0,)), ((), ())),
            preferred_element_type=jnp.float32,
            precision=lax.Precision.HIGHEST,
        )
        phi_ref[...] = ze + (zq - ze)
        diff = ze - zq
        cpart = jnp.sum(diff * diff)

        @pl.when(i == 0)
        def _():
            acc_ref[...] = jnp.zeros_like(acc_ref)
            csum_ref[0, 0] = 0.0
            commit_ref[...] = jnp.zeros((1, 1), jnp.float32)
            perp_ref[...] = jnp.zeros((1, 1), jnp.float32)

        acc_ref[...] = acc_ref[...] + part
        csum_ref[0, 0] = csum_ref[0, 0] + cpart

        @pl.when(i == nt - 1)
        def _():
            avg = acc_ref[...] * (1.0 / bt)
            ent = -jnp.sum(avg * jnp.log(avg + 1e-10))
            perp_ref[...] = jnp.exp(ent).reshape(1, 1)
            commit_ref[...] = (csum_ref[0, 0] * (1.0 / (bt * d))).reshape(1, 1)

    return pl.pallas_call(
        body,
        grid=(nt,),
        in_specs=[
            pl.BlockSpec((tile, d), lambda i: (i, 0)),
            pl.BlockSpec((k_sz, d), lambda i: (0, 0)),
        ],
        out_specs=[
            pl.BlockSpec((tile, d), lambda i: (i, 0)),
            pl.BlockSpec((tile,), lambda i: (i,)),
            pl.BlockSpec((1, 1), lambda i: (0, 0)),
            pl.BlockSpec((1, 1), lambda i: (0, 0)),
        ],
        out_shape=[
            jax.ShapeDtypeStruct((bt, d), jnp.float32),
            jax.ShapeDtypeStruct((bt,), jnp.int32),
            jax.ShapeDtypeStruct((1, 1), jnp.float32),
            jax.ShapeDtypeStruct((1, 1), jnp.float32),
        ],
        scratch_shapes=[
            pltpu.VMEM((1, k_sz), jnp.float32),
            pltpu.SMEM((1, 1), jnp.float32),
        ],
    )(ze, codebook)


def kernel(token_ids, embedding, codebook):
    b, t = token_ids.shape
    v, d = embedding.shape
    flat_ids = token_ids.reshape(-1).astype(jnp.int32)
    ze = _sc_gather_rows(embedding, flat_ids)
    phi, k, commit, perp = _tc_fused(ze, codebook)
    return (
        phi.reshape(b, t, -1),
        k.reshape(b, t),
        commit[0, 0],
        perp[0, 0],
    )

# --- scband reference (transcript-rebuilt; emitter-appended) ---
"""Pipeline reference for scband-quantized-field-embedding-26379689132409 (READ-ONLY COPY).

The authoritative reference and input builder live on the scoring server;
editing this copy changes nothing except your own understanding.
"""

import jax, jax.numpy as jnp
import numpy as np

VOCAB = 1000000
D = 32
K = 512
B = 32
T = 2048


def _normalize(x, eps=1e-12):
    n = jnp.linalg.norm(x, axis=-1, keepdims=True)
    return x / jnp.maximum(n, eps)


def setup_inputs(seed: int = 0) -> dict:
    key = jax.random.key(seed)
    k1, k2, k3 = jax.random.split(key, 3)
    token_ids = jax.random.randint(k1, (B, T), 0, VOCAB)
    embedding = jax.random.normal(k2, (VOCAB, D), dtype=jnp.float32) * 0.02
    codebook = _normalize(jax.random.normal(k3, (K, D), dtype=jnp.float32))
    return {"token_ids": token_ids, "embedding": embedding, "codebook": codebook}


def reference(token_ids, embedding, codebook):
    # z_e = self.embedding(token_ids)
    z_e = jnp.take(embedding, token_ids, axis=0)  # [B, T, D]
    flat = z_e.reshape(-1, z_e.shape[-1])  # [B*T, D]
    flat_n = _normalize(flat)
    cb_n = _normalize(codebook)
    sim = flat_n @ cb_n.T  # [B*T, K]
    k = jnp.argmax(sim, axis=-1)  # [B*T]
    z_q = jnp.take(codebook, k, axis=0).reshape(z_e.shape)
    # eval-mode forward (no EMA buffer updates)
    phi = z_e + jax.lax.stop_gradient(z_q - z_e)
    commit_loss = jnp.mean((z_e - jax.lax.stop_gradient(z_q)) ** 2)
    avg_probs = jnp.mean(jax.nn.softmax(sim, axis=-1), axis=0)
    perplexity = jnp.exp(-jnp.sum(avg_probs * jnp.log(avg_probs + 1e-10)))
    return (phi, k.reshape(token_ids.shape), commit_loss, perplexity)

if __name__ == "__main__":
    import jax
    _d = setup_inputs()
    print(jax.jit(kernel)(*tuple(_d.values())))

</pallas_src>

<mosaic_0001>
#map = affine_map<(d0, d1) -> (0)>
#map1 = affine_map<(d0, d1) -> (0, 0)>
module attributes {stable_mosaic.version = 14 : i64} {
  func.func @gk(%arg0: i32, %arg1: i32, %arg2: memref<65536xi32, #tpu.memory_space<hbm>>, %arg3: memref<1000000x32xf32, #tpu.memory_space<hbm>>, %arg4: memref<65536x32xf32, #tpu.memory_space<hbm>>, %arg5: memref<2048xi32, #tpu.memory_space<vmem>>, %arg6: memref<2x128x32xf32, #tpu.memory_space<vmem>>, %arg7: memref<!tpu.dma_semaphore, #tpu.memory_space<semaphore_mem>>, %arg8: memref<!tpu.dma_semaphore, #tpu.memory_space<semaphore_mem>>) attributes {dimension_semantics = [#tpu.dimension_semantics<core_parallel>, #tpu.dimension_semantics<subcore_parallel>], iteration_bounds = array<i64: 2, 16>, scalar_prefetch = 0 : i64, scratch_operands = 4 : i64, tpu.core_type = #tpu.core_type<sc_vector_subcore>, window_params = [{transform_indices = #map}, {transform_indices = #map1}, {transform_indices = #map1}]} {
    %mul3A = arith.constant 2 : i32
    %mul3A_0 = arith.muli %arg1, %mul3A : i32
    %add3A = arith.addi %mul3A_0, %arg0 : i32
    %mul3A_1 = arith.constant 2048 : i32
    %mul3A_2 = arith.muli %add3A, %mul3A_1 : i32
    "tpu.region"() ({
      %run_scoped3A = tpu.sem_alloc : memref<!tpu.dma_semaphore, #tpu.memory_space<semaphore_mem>>
      %dma_start3A_26 = tpu.memref_slice %arg2[%mul3A_2] : memref<65536xi32, #tpu.memory_space<hbm>> -> memref<2048xi32, #tpu.memory_space<hbm>>
      %dma_start3A_27 = tpu.memref_slice %arg2[%mul3A_2] : memref<65536xi32, #tpu.memory_space<hbm>> -> memref<2048xi32, #tpu.memory_space<hbm>>
      tpu.enqueue_dma source(%dma_start3A_27 : memref<2048xi32, #tpu.memory_space<hbm>>) target(%arg5 : memref<2048xi32, #tpu.memory_space<vmem>>) target_semaphore(%run_scoped3A : memref<!tpu.dma_semaphore, #tpu.memory_space<semaphore_mem>>)
      %dma_wait3A = tpu.memref_slice %arg2[%mul3A_2] : memref<65536xi32, #tpu.memory_space<hbm>> -> memref<2048xi32, #tpu.memory_space<hbm>>
      %dma_wait3A_28 = tpu.memref_slice %arg2[%mul3A_2] : memref<65536xi32, #tpu.memory_space<hbm>> -> memref<2048xi32, #tpu.memory_space<hbm>>
      tpu.wait_dma2 semaphore(%run_scoped3A : memref<!tpu.dma_semaphore, #tpu.memory_space<semaphore_mem>>) src(%dma_wait3A_28 : memref<2048xi32, #tpu.memory_space<hbm>>) dst(%arg5 : memref<2048xi32, #tpu.memory_space<vmem>>)
      tpu.yield
    }) : () -> ()
    %dma_start3A = arith.constant 0 : i32
    %dma_start3A_3 = arith.constant 0 : i32
    %dma_start3A_4 = arith.constant 0 : i32
    %dma_start3A_5 = tpu.memref_slice %arg6[%dma_start3A, %dma_start3A_3, %dma_start3A_4] : memref<2x128x32xf32, #tpu.memory_space<vmem>> -> memref<1x128x32xf32, #tpu.memory_space<vmem>>
    %dma_start3A_6 = tpu.memref_squeeze %dma_start3A_5 : memref<1x128x32xf32, #tpu.memory_space<vmem>> -> memref<128x32xf32, #tpu.memory_space<vmem>>
    %dma_start3A_7 = arith.constant 0 : i32
    %dma_start3A_8 = tpu.memref_slice %arg5[%dma_start3A_7] : memref<2048xi32, #tpu.memory_space<vmem>> -> memref<128xi32, #tpu.memory_space<vmem>>
    %dma_start3A_9 = arith.constant 0 : i32
    %dma_start3A_10 = arith.constant 0 : i32
    %dma_start3A_11 = tpu.memref_slice %arg3[%dma_start3A_9, %dma_start3A_10] : memref<1000000x32xf32, #tpu.memory_space<hbm>> -> memref<1000000x32xf32, #tpu.memory_space<hbm>>
    tpu.enqueue_indirect_dma source(%dma_start3A_11 : memref<1000000x32xf32, #tpu.memory_space<hbm>>) target(%dma_start3A_6 : memref<128x32xf32, #tpu.memory_space<vmem>>) offsets(%dma_start3A_8 : memref<128xi32, #tpu.memory_space<vmem>>) semaphore(%arg7 : memref<!tpu.dma_semaphore, #tpu.memory_space<semaphore_mem>>)
    %dma_start3A_12 = arith.constant 1 : i32
    %dma_start3A_13 = arith.constant 0 : i32
    %dma_start3A_14 = arith.constant 0 : i32
    %dma_start3A_15 = tpu.memref_slice %arg6[%dma_start3A_12, %dma_start3A_13, %dma_start3A_14] : memref<2x128x32xf32, #tpu.memory_space<vmem>> -> memref<1x128x32xf32, #tpu.memory_space<vmem>>
    %dma_start3A_16 = tpu.memref_squeeze %dma_start3A_15 : memref<1x128x32xf32, #tpu.memory_space<vmem>> -> memref<128x32xf32, #tpu.memory_space<vmem>>
    %dma_start3A_17 = arith.constant 128 : i32
    %dma_start3A_18 = tpu.memref_slice %arg5[%dma_start3A_17] : memref<2048xi32, #tpu.memory_space<vmem>> -> memref<128xi32, #tpu.memory_space<vmem>>
    %dma_start3A_19 = arith.constant 0 : i32
    %dma_start3A_20 = arith.constant 0 : i32
    %dma_start3A_21 = tpu.memref_slice %arg3[%dma_start3A_19, %dma_start3A_20] : memref<1000000x32xf32, #tpu.memory_space<hbm>> -> memref<1000000x32xf32, #tpu.memory_space<hbm>>
    tpu.enqueue_indirect_dma source(%dma_start3A_21 : memref<1000000x32xf32, #tpu.memory_space<hbm>>) target(%dma_start3A_16 : memref<128x32xf32, #tpu.memory_space<vmem>>) offsets(%dma_start3A_18 : memref<128xi32, #tpu.memory_space<vmem>>) semaphore(%arg8 : memref<!tpu.dma_semaphore, #tpu.memory_space<semaphore_mem>>)
    %scan3A = arith.constant 0 : i32
    %scan3A_22 = arith.constant 8 : i32
    %scan3A_23 = arith.addi %scan3A, %scan3A_22 : i32
    %scan3A_24 = arith.constant 1 : i32
    scf.for %scan3A_26 = %scan3A to %scan3A_23 step %scan3A_24  : i32 {
      %mul3A_27 = arith.constant 1 : i32
      %mul3A_28 = arith.muli %scan3A_26, %mul3A_27 : i32
      %add3A_29 = arith.constant 0 : i32
      %add3A_30 = arith.addi %add3A_29, %mul3A_28 : i32
      %mul3A_31 = arith.constant 2 : i32
      %mul3A_32 = arith.muli %mul3A_31, %add3A_30 : i32
      %mul3A_33 = arith.constant 128 : i32
      %mul3A_34 = arith.muli %mul3A_32, %mul3A_33 : i32
      %dma_wait3A = arith.constant 0 : i32
      %dma_wait3A_35 = arith.constant 0 : i32
      %dma_wait3A_36 = arith.constant 0 : i32
      %dma_wait3A_37 = tpu.memref_slice %arg6[%dma_wait3A, %dma_wait3A_35, %dma_wait3A_36] : memref<2x128x32xf32, #tpu.memory_space<vmem>> -> memref<1x128x32xf32, #tpu.memory_space<vmem>>
      %dma_wait3A_38 = tpu.memref_squeeze %dma_wait3A_37 : memref<1x128x32xf32, #tpu.memory_space<vmem>> -> memref<128x32xf32, #tpu.memory_space<vmem>>
      %dma_wait3A_39 = tpu.memref_slice %arg5[%mul3A_34] : memref<2048xi32, #tpu.memory_space<vmem>> -> memref<128xi32, #tpu.memory_space<vmem>>
      %dma_wait3A_40 = arith.constant 0 : i32
      %dma_wait3A_41 = arith.constant 0 : i32
      %dma_wait3A_42 = tpu.memref_slice %arg3[%dma_wait3A_40, %dma_wait3A_41] : memref<1000000x32xf32, #tpu.memory_space<hbm>> -> memref<1000000x32xf32, #tpu.memory_space<hbm>>
      tpu.wait_indirect_dma semaphore(%arg7 : memref<!tpu.dma_semaphore, #tpu.memory_space<semaphore_mem>>) src(%dma_wait3A_42 : memref<1000000x32xf32, #tpu.memory_space<hbm>>) dst(%dma_wait3A_38 : memref<128x32xf32, #tpu.memory_space<vmem>>)
      %mul3A_43 = arith.constant 128 : i32
      %mul3A_44 = arith.muli %mul3A_32, %mul3A_43 : i32
      %add3A_45 = arith.addi %mul3A_2, %mul3A_44 : i32
      %run_scoped3A = arith.constant 0 : i32
      "tpu.region"() ({
        %run_scoped3A_76 = tpu.sem_alloc : memref<!tpu.dma_semaphore, #tpu.memory_space<semaphore_mem>>
        %dma_start3A_77 = arith.constant 0 : i32
        %dma_start3A_78 = arith.constant 0 : i32
        %dma_start3A_79 = tpu.memref_slice %arg6[%run_scoped3A, %dma_start3A_77, %dma_start3A_78] : memref<2x128x32xf32, #tpu.memory_space<vmem>> -> memref<1x128x32xf32, #tpu.memory_space<vmem>>
        %dma_start3A_80 = tpu.memref_squeeze %dma_start3A_79 : memref<1x128x32xf32, #tpu.memory_space<vmem>> -> memref<128x32xf32, #tpu.memory_space<vmem>>
        %dma_start3A_81 = arith.constant 0 : i32
        %dma_start3A_82 = tpu.memref_slice %arg4[%add3A_45, %dma_start3A_81] : memref<65536x32xf32, #tpu.memory_space<hbm>> -> memref<128x32xf32, #tpu.memory_space<hbm>>
        %dma_start3A_83 = arith.constant 0 : i32
        %dma_start3A_84 = tpu.memref_slice %arg4[%add3A_45, %dma_start3A_83] : memref<65536x32xf32, #tpu.memory_space<hbm>> -> memref<128x32xf32, #tpu.memory_space<hbm>>
        %dma_start3A_85 = arith.constant 0 : i32
        %dma_start3A_86 = arith.constant 0 : i32
        %dma_start3A_87 = tpu.memref_slice %arg6[%run_scoped3A, %dma_start3A_85, %dma_start3A_86] : memref<2x128x32xf32, #tpu.memory_space<vmem>> -> memref<1x128x32xf32, #tpu.memory_space<vmem>>
        %dma_start3A_88 = tpu.memref_squeeze %dma_start3A_87 : memref<1x128x32xf32, #tpu.memory_space<vmem>> -> memref<128x32xf32, #tpu.memory_space<vmem>>
        tpu.enqueue_dma source(%dma_start3A_88 : memref<128x32xf32, #tpu.memory_space<vmem>>) target(%dma_start3A_84 : memref<128x32xf32, #tpu.memory_space<hbm>>) target_semaphore(%run_scoped3A_76 : memref<!tpu.dma_semaphore, #tpu.memory_space<semaphore_mem>>)
        %dma_wait3A_89 = arith.constant 0 : i32
        %dma_wait3A_90 = arith.constant 0 : i32
        %dma_wait3A_91 = tpu.memref_slice %arg6[%run_scoped3A, %dma_wait3A_89, %dma_wait3A_90] : memref<2x128x32xf32, #tpu.memory_space<vmem>> -> memref<1x128x32xf32, #tpu.memory_space<vmem>>
        %dma_wait3A_92 = tpu.memref_squeeze %dma_wait3A_91 : memref<1x128x32xf32, #tpu.memory_space<vmem>> -> memref<128x32xf32, #tpu.memory_space<vmem>>
        %dma_wait3A_93 = arith.constant 0 : i32
        %dma_wait3A_94 = tpu.memref_slice %arg4[%add3A_45, %dma_wait3A_93] : memref<65536x32xf32, #tpu.memory_space<hbm>> -> memref<128x32xf32, #tpu.memory_space<hbm>>
        %dma_wait3A_95 = arith.constant 0 : i32
        %dma_wait3A_96 = tpu.memref_slice %arg4[%add3A_45, %dma_wait3A_95] : memref<65536x32xf32, #tpu.memory_space<hbm>> -> memref<128x32xf32, #tpu.memory_space<hbm>>
        %dma_wait3A_97 = arith.constant 0 : i32
        %dma_wait3A_98 = arith.constant 0 : i32
        %dma_wait3A_99 = tpu.memref_slice %arg6[%run_scoped3A, %dma_wait3A_97, %dma_wait3A_98] : memref<2x128x32xf32, #tpu.memory_space<vmem>> -> memref<1x128x32xf32, #tpu.memory_space<vmem>>
        %dma_wait3A_100 = tpu.memref_squeeze %dma_wait3A_99 : memref<1x128x32xf32, #tpu.memory_space<vmem>> -> memref<128x32xf32, #tpu.memory_space<vmem>>
        tpu.wait_dma2 semaphore(%run_scoped3A_76 : memref<!tpu.dma_semaphore, #tpu.memory_space<semaphore_mem>>) src(%dma_wait3A_100 : memref<128x32xf32, #tpu.memory_space<vmem>>) dst(%dma_wait3A_96 : memref<128x32xf32, #tpu.memory_space<hbm>>)
        tpu.yield
      }) : () -> ()
      %add3A_46 = arith.constant 2 : i32
      %add3A_47 = arith.addi %mul3A_32, %add3A_46 : i32
      %lt3A = arith.constant 16 : i32
      %lt3A_48 = arith.cmpi slt, %add3A_47, %lt3A : i32
      %convert_element_type3A = arith.extui %lt3A_48 : i1 to i32
      %cond3A = arith.constant 0 : i32
      %cond3A_49 = arith.cmpi ne, %convert_element_type3A, %cond3A : i32
      scf.if %cond3A_49 {
        %mul3A_76 = arith.constant 128 : i32
        %mul3A_77 = arith.muli %add3A_47, %mul3A_76 : i32
        %dma_start3A_78 = arith.constant 0 : i32
        %dma_start3A_79 = arith.constant 0 : i32
        %dma_start3A_80 = arith.constant 0 : i32
        %dma_start3A_81 = tpu.memref_slice %arg6[%dma_start3A_78, %dma_start3A_79, %dma_start3A_80] : memref<2x128x32xf32, #tpu.memory_space<vmem>> -> memref<1x128x32xf32, #tpu.memory_space<vmem>>
        %dma_start3A_82 = tpu.memref_squeeze %dma_start3A_81 : memref<1x128x32xf32, #tpu.memory_space<vmem>> -> memref<128x32xf32, #tpu.memory_space<vmem>>
        %dma_start3A_83 = tpu.memref_slice %arg5[%mul3A_77] : memref<2048xi32, #tpu.memory_space<vmem>> -> memref<128xi32, #tpu.memory_space<vmem>>
        %dma_start3A_84 = arith.constant 0 : i32
        %dma_start3A_85 = arith.constant 0 : i32
        %dma_start3A_86 = tpu.memref_slice %arg3[%dma_start3A_84, %dma_start3A_85] : memref<1000000x32xf32, #tpu.memory_space<hbm>> -> memref<1000000x32xf32, #tpu.memory_space<hbm>>
        tpu.enqueue_indirect_dma source(%dma_start3A_86 : memref<1000000x32xf32, #tpu.memory_space<hbm>>) target(%dma_start3A_82 : memref<128x32xf32, #tpu.memory_space<vmem>>) offsets(%dma_start3A_83 : memref<128xi32, #tpu.memory_space<vmem>>) semaphore(%arg7 : memref<!tpu.dma_semaphore, #tpu.memory_space<semaphore_mem>>)
      } else {
      }
      %mul3A_50 = arith.constant 2 : i32
      %mul3A_51 = arith.muli %mul3A_50, %add3A_30 : i32
      %add3A_52 = arith.constant 1 : i32
      %add3A_53 = arith.addi %mul3A_51, %add3A_52 : i32
      %mul3A_54 = arith.constant 128 : i32
      %mul3A_55 = arith.muli %add3A_53, %mul3A_54 : i32
      %dma_wait3A_56 = arith.constant 1 : i32
      %dma_wait3A_57 = arith.constant 0 : i32
      %dma_wait3A_58 = arith.constant 0 : i32
      %dma_wait3A_59 = tpu.memref_slice %arg6[%dma_wait3A_56, %dma_wait3A_57, %dma_wait3A_58] : memref<2x128x32xf32, #tpu.memory_space<vmem>> -> memref<1x128x32xf32, #tpu.memory_space<vmem>>
      %dma_wait3A_60 = tpu.memref_squeeze %dma_wait3A_59 : memref<1x128x32xf32, #tpu.memory_space<vmem>> -> memref<128x32xf32, #tpu.memory_space<vmem>>
      %dma_wait3A_61 = tpu.memref_slice %arg5[%mul3A_55] : memref<2048xi32, #tpu.memory_space<vmem>> -> memref<128xi32, #tpu.memory_space<vmem>>
      %dma_wait3A_62 = arith.constant 0 : i32
      %dma_wait3A_63 = arith.constant 0 : i32
      %dma_wait3A_64 = tpu.memref_slice %arg3[%dma_wait3A_62, %dma_wait3A_63] : memref<1000000x32xf32, #tpu.memory_space<hbm>> -> memref<1000000x32xf32, #tpu.memory_space<hbm>>
      tpu.wait_indirect_dma semaphore(%arg8 : memref<!tpu.dma_semaphore, #tpu.memory_space<semaphore_mem>>) src(%dma_wait3A_64 : memref<1000000x32xf32, #tpu.memory_space<hbm>>) dst(%dma_wait3A_60 : memref<128x32xf32, #tpu.memory_space<vmem>>)
      %mul3A_65 = arith.constant 128 : i32
      %mul3A_66 = arith.muli %add3A_53, %mul3A_65 : i32
      %add3A_67 = arith.addi %mul3A_2, %mul3A_66 : i32
      %run_scoped3A_68 = arith.constant 1 : i32
      "tpu.region"() ({
        %run_scoped3A_76 = tpu.sem_alloc : memref<!tpu.dma_semaphore, #tpu.memory_space<semaphore_mem>>
        %dma_start3A_77 = arith.constant 0 : i32
        %dma_start3A_78 = arith.constant 0 : i32
        %dma_start3A_79 = tpu.memref_slice %arg6[%run_scoped3A_68, %dma_start3A_77, %dma_start3A_78] : memref<2x128x32xf32, #tpu.memory_space<vmem>> -> memref<1x128x32xf32, #tpu.memory_space<vmem>>
        %dma_start3A_80 = tpu.memref_squeeze %dma_start3A_79 : memref<1x128x32xf32, #tpu.memory_space<vmem>> -> memref<128x32xf32, #tpu.memory_space<vmem>>
        %dma_start3A_81 = arith.constant 0 : i32
        %dma_start3A_82 = tpu.memref_slice %arg4[%add3A_67, %dma_start3A_81] : memref<65536x32xf32, #tpu.memory_space<hbm>> -> memref<128x32xf32, #tpu.memory_space<hbm>>
        %dma_start3A_83 = arith.constant 0 : i32
        %dma_start3A_84 = tpu.memref_slice %arg4[%add3A_67, %dma_start3A_83] : memref<65536x32xf32, #tpu.memory_space<hbm>> -> memref<128x32xf32, #tpu.memory_space<hbm>>
        %dma_start3A_85 = arith.constant 0 : i32
        %dma_start3A_86 = arith.constant 0 : i32
        %dma_start3A_87 = tpu.memref_slice %arg6[%run_scoped3A_68, %dma_start3A_85, %dma_start3A_86] : memref<2x128x32xf32, #tpu.memory_space<vmem>> -> memref<1x128x32xf32, #tpu.memory_space<vmem>>
        %dma_start3A_88 = tpu.memref_squeeze %dma_start3A_87 : memref<1x128x32xf32, #tpu.memory_space<vmem>> -> memref<128x32xf32, #tpu.memory_space<vmem>>
        tpu.enqueue_dma source(%dma_start3A_88 : memref<128x32xf32, #tpu.memory_space<vmem>>) target(%dma_start3A_84 : memref<128x32xf32, #tpu.memory_space<hbm>>) target_semaphore(%run_scoped3A_76 : memref<!tpu.dma_semaphore, #tpu.memory_space<semaphore_mem>>)
        %dma_wait3A_89 = arith.constant 0 : i32
        %dma_wait3A_90 = arith.constant 0 : i32
        %dma_wait3A_91 = tpu.memref_slice %arg6[%run_scoped3A_68, %dma_wait3A_89, %dma_wait3A_90] : memref<2x128x32xf32, #tpu.memory_space<vmem>> -> memref<1x128x32xf32, #tpu.memory_space<vmem>>
        %dma_wait3A_92 = tpu.memref_squeeze %dma_wait3A_91 : memref<1x128x32xf32, #tpu.memory_space<vmem>> -> memref<128x32xf32, #tpu.memory_space<vmem>>
        %dma_wait3A_93 = arith.constant 0 : i32
        %dma_wait3A_94 = tpu.memref_slice %arg4[%add3A_67, %dma_wait3A_93] : memref<65536x32xf32, #tpu.memory_space<hbm>> -> memref<128x32xf32, #tpu.memory_space<hbm>>
        %dma_wait3A_95 = arith.constant 0 : i32
        %dma_wait3A_96 = tpu.memref_slice %arg4[%add3A_67, %dma_wait3A_95] : memref<65536x32xf32, #tpu.memory_space<hbm>> -> memref<128x32xf32, #tpu.memory_space<hbm>>
        %dma_wait3A_97 = arith.constant 0 : i32
        %dma_wait3A_98 = arith.constant 0 : i32
        %dma_wait3A_99 = tpu.memref_slice %arg6[%run_scoped3A_68, %dma_wait3A_97, %dma_wait3A_98] : memref<2x128x32xf32, #tpu.memory_space<vmem>> -> memref<1x128x32xf32, #tpu.memory_space<vmem>>
        %dma_wait3A_100 = tpu.memref_squeeze %dma_wait3A_99 : memref<1x128x32xf32, #tpu.memory_space<vmem>> -> memref<128x32xf32, #tpu.memory_space<vmem>>
        tpu.wait_dma2 semaphore(%run_scoped3A_76 : memref<!tpu.dma_semaphore, #tpu.memory_space<semaphore_mem>>) src(%dma_wait3A_100 : memref<128x32xf32, #tpu.memory_space<vmem>>) dst(%dma_wait3A_96 : memref<128x32xf32, #tpu.memory_space<hbm>>)
        tpu.yield
      }) : () -> ()
      %add3A_69 = arith.constant 2 : i32
      %add3A_70 = arith.addi %add3A_53, %add3A_69 : i32
      %lt3A_71 = arith.constant 16 : i32
      %lt3A_72 = arith.cmpi slt, %add3A_70, %lt3A_71 : i32
      %convert_element_type3A_73 = arith.extui %lt3A_72 : i1 to i32
      %cond3A_74 = arith.constant 0 : i32
      %cond3A_75 = arith.cmpi ne, %convert_element_type3A_73, %cond3A_74 : i32
      scf.if %cond3A_75 {
        %mul3A_76 = arith.constant 128 : i32
        %mul3A_77 = arith.muli %add3A_70, %mul3A_76 : i32
        %dma_start3A_78 = arith.constant 1 : i32
        %dma_start3A_79 = arith.constant 0 : i32
        %dma_start3A_80 = arith.constant 0 : i32
        %dma_start3A_81 = tpu.memref_slice %arg6[%dma_start3A_78, %dma_start3A_79, %dma_start3A_80] : memref<2x128x32xf32, #tpu.memory_space<vmem>> -> memref<1x128x32xf32, #tpu.memory_space<vmem>>
        %dma_start3A_82 = tpu.memref_squeeze %dma_start3A_81 : memref<1x128x32xf32, #tpu.memory_space<vmem>> -> memref<128x32xf32, #tpu.memory_space<vmem>>
        %dma_start3A_83 = tpu.memref_slice %arg5[%mul3A_77] : memref<2048xi32, #tpu.memory_space<vmem>> -> memref<128xi32, #tpu.memory_space<vmem>>
        %dma_start3A_84 = arith.constant 0 : i32
        %dma_start3A_85 = arith.constant 0 : i32
        %dma_start3A_86 = tpu.memref_slice %arg3[%dma_start3A_84, %dma_start3A_85] : memref<1000000x32xf32, #tpu.memory_space<hbm>> -> memref<1000000x32xf32, #tpu.memory_space<hbm>>
        tpu.enqueue_indirect_dma source(%dma_start3A_86 : memref<1000000x32xf32, #tpu.memory_space<hbm>>) target(%dma_start3A_82 : memref<128x32xf32, #tpu.memory_space<vmem>>) offsets(%dma_start3A_83 : memref<128xi32, #tpu.memory_space<vmem>>) semaphore(%arg8 : memref<!tpu.dma_semaphore, #tpu.memory_space<semaphore_mem>>)
      } else {
      }
    }
    %scan3A_25 = arith.constant 8 : i32
    return
  }
}

module attributes {stable_mosaic.version = 14 : i64} {
  func.func @body(%arg0: i32, %arg1: memref<2048x32xf32, #tpu.memory_space<vmem>>, %arg2: memref<512x32xf32, #tpu.memory_space<vmem>>, %arg3: memref<2048x32xf32, #tpu.memory_space<vmem>>, %arg4: memref<2048xi32, #tpu.memory_space<vmem>>, %arg5: memref<1x1xf32, #tpu.memory_space<vmem>>, %arg6: memref<1x1xf32, #tpu.memory_space<vmem>>, %arg7: memref<1x512xf32, #tpu.memory_space<vmem>>, %arg8: memref<1x1xf32, #tpu.memory_space<smem>>) attributes {dimension_semantics = [#tpu.dimension_semantics<arbitrary>], iteration_bounds = array<i64: 32>, scalar_prefetch = 0 : i64, scratch_operands = 2 : i64, tpu.core_type = #tpu.core_type<tc>, window_params = [{transform_indices = @transform_0, window_bounds = array<i64: 2048, 32>}, {pipeline_mode = #tpu.pipeline_mode<synchronous>, transform_indices = @transform_1, window_bounds = array<i64: 512, 32>}, {transform_indices = @transform_2, window_bounds = array<i64: 2048, 32>}, {transform_indices = @transform_3, window_bounds = array<i64: 2048>}, {pipeline_mode = #tpu.pipeline_mode<synchronous>, transform_indices = @transform_4, window_bounds = array<i64: 1, 1>}, {pipeline_mode = #tpu.pipeline_mode<synchronous>, transform_indices = @transform_5, window_bounds = array<i64: 1, 1>}]} {
    %get3A = arith.constant 0 : index
    %get3A_0 = arith.constant 0 : index
    %get3A_1 = vector.load %arg1[%get3A, %get3A_0] : memref<2048x32xf32, #tpu.memory_space<vmem>>, vector<2048x32xf32>
    %get3A_2 = arith.constant 0 : index
    %get3A_3 = arith.constant 0 : index
    %get3A_4 = vector.load %arg2[%get3A_2, %get3A_3] : memref<512x32xf32, #tpu.memory_space<vmem>>, vector<512x32xf32>
    %mul3A = arith.mulf %get3A_1, %get3A_1 : vector<2048x32xf32>
    %reduce_sum3A = arith.constant dense<0.000000e+00> : vector<2048xf32>
    %reduce_sum3A_5 = vector.multi_reduction <add>, %mul3A, %reduce_sum3A [1] : vector<2048x32xf32> to vector<2048xf32>
    %broadcast_in_dim3A = vector.shape_cast %reduce_sum3A_5 : vector<2048xf32> to vector<2048x1xf32>
    %sqrt3A = math.sqrt %broadcast_in_dim3A : vector<2048x1xf32>
    %max3A = arith.constant 9.99999996E-13 : f32
    %max3A_6 = vector.broadcast %max3A : f32 to vector<2048x1xf32>
    %max3A_7 = arith.maximumf %sqrt3A, %max3A_6 : vector<2048x1xf32>
    %div3A = vector.broadcast %max3A_7 : vector<2048x1xf32> to vector<2048x32xf32>
    %div3A_8 = arith.divf %get3A_1, %div3A : vector<2048x32xf32>
    %mul3A_9 = arith.mulf %get3A_4, %get3A_4 : vector<512x32xf32>
    %reduce_sum3A_10 = arith.constant dense<0.000000e+00> : vector<512xf32>
    %reduce_sum3A_11 = vector.multi_reduction <add>, %mul3A_9, %reduce_sum3A_10 [1] : vector<512x32xf32> to vector<512xf32>
    %broadcast_in_dim3A_12 = vector.shape_cast %reduce_sum3A_11 : vector<512xf32> to vector<512x1xf32>
    %sqrt3A_13 = math.sqrt %broadcast_in_dim3A_12 : vector<512x1xf32>
    %max3A_14 = arith.constant 9.99999996E-13 : f32
    %max3A_15 = vector.broadcast %max3A_14 : f32 to vector<512x1xf32>
    %max3A_16 = arith.maximumf %sqrt3A_13, %max3A_15 : vector<512x1xf32>
    %div3A_17 = vector.broadcast %max3A_16 : vector<512x1xf32> to vector<512x32xf32>
    %div3A_18 = arith.divf %get3A_4, %div3A_17 : vector<512x32xf32>
    %dot_general3A = arith.constant dense<0.000000e+00> : vector<2048x512xf32>
    %dot_general3A_19 = tpu.matmul %div3A_8, %div3A_18, %dot_general3A {dimension_numbers = #tpu.dot_dimension_numbers<[1], [1], [0], [0], [0, 0, 1, 0], [], []>, transpose_lhs_hint = false} : vector<2048x32xf32>, vector<512x32xf32>, vector<2048x512xf32> -> vector<2048x512xf32>
    %reduce_max3A = arith.constant dense<0xFF800000> : vector<2048xf32>
    %reduce_max3A_20 = vector.multi_reduction <maximumf>, %dot_general3A_19, %reduce_max3A [1] : vector<2048x512xf32> to vector<2048xf32>
    %broadcast_in_dim3A_21 = vector.shape_cast %reduce_max3A_20 : vector<2048xf32> to vector<2048x1xf32>
    %iota3A = tpu.iota {dimensions = array<i32: 1>} : vector<2048x512xi32>
    %eq3A = vector.broadcast %broadcast_in_dim3A_21 : vector<2048x1xf32> to vector<2048x512xf32>
    %eq3A_22 = arith.cmpf oeq, %dot_general3A_19, %eq3A : vector<2048x512xf32>
    %jit3A = arith.constant 512 : i32
    %broadcast_in_dim3A_23 = vector.broadcast %jit3A : i32 to vector<2048x512xi32>
    %select_n3A = arith.select %eq3A_22, %iota3A, %broadcast_in_dim3A_23 : vector<2048x512xi1>, vector<2048x512xi32>
    %reduce_min3A = arith.constant dense<2147483647> : vector<2048xi32>
    %reduce_min3A_24 = vector.multi_reduction <minsi>, %select_n3A, %reduce_min3A [1] : vector<2048x512xi32> to vector<2048xi32>
    %swap3A = arith.constant 0 : index
    %swap3A_25 = vector.load %arg4[%swap3A] : memref<2048xi32, #tpu.memory_space<vmem>>, vector<2048xi32>
    tpu.vector_store %arg4[%swap3A], %reduce_min3A_24 {strides = array<i32>} : memref<2048xi32, #tpu.memory_space<vmem>>, vector<2048xi32>,
    %exp3A = math.exp %dot_general3A_19 : vector<2048x512xf32>
    %reduce_sum3A_26 = arith.constant dense<0.000000e+00> : vector<2048xf32>
    %reduce_sum3A_27 = vector.multi_reduction <add>, %exp3A, %reduce_sum3A_26 [1] : vector<2048x512xf32> to vector<2048xf32>
    %broadcast_in_dim3A_28 = vector.shape_cast %reduce_sum3A_27 : vector<2048xf32> to vector<2048x1xf32>
    %div3A_29 = vector.broadcast %broadcast_in_dim3A_28 : vector<2048x1xf32> to vector<2048x512xf32>
    %div3A_30 = arith.divf %exp3A, %div3A_29 : vector<2048x512xf32>
    %reduce_sum3A_31 = arith.constant dense<0.000000e+00> : vector<512xf32>
    %reduce_sum3A_32 = vector.multi_reduction <add>, %div3A_30, %reduce_sum3A_31 [0] : vector<2048x512xf32> to vector<512xf32>
    %broadcast_in_dim3A_33 = vector.shape_cast %reduce_sum3A_32 : vector<512xf32> to vector<1x512xf32>
    %broadcast_in_dim3A_34 = vector.shape_cast %reduce_min3A_24 : vector<2048xi32> to vector<2048x1xi32>
    %eq3A_35 = vector.broadcast %broadcast_in_dim3A_34 : vector<2048x1xi32> to vector<2048x512xi32>
    %eq3A_36 = arith.cmpi eq, %iota3A, %eq3A_35 : vector<2048x512xi32>
    %convert_element_type3A = arith.extui %eq3A_36 : vector<2048x512xi1> to vector<2048x512xi32>
    %convert_element_type3A_37 = arith.sitofp %convert_element_type3A : vector<2048x512xi32> to vector<2048x512xf32>
    %dot_general3A_38 = arith.constant dense<0.000000e+00> : vector<2048x32xf32>
    %dot_general3A_39 = tpu.matmul %convert_element_type3A_37, %get3A_4, %dot_general3A_38 {dimension_numbers = #tpu.dot_dimension_numbers<[1], [0], [0], [1], [0, 0, 1, 1], [], []>, precision = #tpu.contract_precision<fp32>, transpose_lhs_hint = false} : vector<2048x512xf32>, vector<512x32xf32>, vector<2048x32xf32> -> vector<2048x32xf32>
    %sub3A = arith.subf %dot_general3A_39, %get3A_1 : vector<2048x32xf32>
    %add3A = arith.addf %get3A_1, %sub3A : vector<2048x32xf32>
    %swap3A_40 = arith.constant 0 : index
    %swap3A_41 = arith.constant 0 : index
    %swap3A_42 = vector.load %arg3[%swap3A_40, %swap3A_41] : memref<2048x32xf32, #tpu.memory_space<vmem>>, vector<2048x32xf32>
    tpu.vector_store %arg3[%swap3A_40, %swap3A_41], %add3A {strides = array<i32>} : memref<2048x32xf32, #tpu.memory_space<vmem>>, vector<2048x32xf32>,
    %sub3A_43 = arith.subf %get3A_1, %dot_general3A_39 : vector<2048x32xf32>
    %mul3A_44 = arith.mulf %sub3A_43, %sub3A_43 : vector<2048x32xf32>
    %reduce_sum3A_45 = vector.shape_cast %mul3A_44 : vector<2048x32xf32> to vector<1x2048x32xf32>
    %reduce_sum3A_46 = arith.constant dense<0.000000e+00> : vector<1xf32>
    %reduce_sum3A_47 = vector.multi_reduction <add>, %reduce_sum3A_45, %reduce_sum3A_46 [1, 2] : vector<1x2048x32xf32> to vector<1xf32>
    %reduce_sum3A_48 = vector.shape_cast %reduce_sum3A_47 : vector<1xf32> to vector<1x1x1xf32>
    %reduce_sum3A_49 = vector.extract %reduce_sum3A_48[0, 0, 0] : f32 from vector<1x1x1xf32>
    %eq3A_50 = arith.constant 0 : i32
    %eq3A_51 = arith.cmpi eq, %arg0, %eq3A_50 : i32
    %convert_element_type3A_52 = arith.extui %eq3A_51 : i1 to i32
    %cond3A = arith.constant 0 : i32
    %cond3A_53 = arith.cmpi ne, %convert_element_type3A_52, %cond3A : i32
    scf.if %cond3A_53 {
      %broadcast_in_dim3A_73 = arith.constant 0.000000e+00 : f32
      %broadcast_in_dim3A_74 = vector.broadcast %broadcast_in_dim3A_73 : f32 to vector<1x512xf32>
      %swap3A_75 = arith.constant 0 : index
      %swap3A_76 = arith.constant 0 : index
      %swap3A_77 = vector.load %arg7[%swap3A_75, %swap3A_76] : memref<1x512xf32, #tpu.memory_space<vmem>>, vector<1x512xf32>
      tpu.vector_store %arg7[%swap3A_75, %swap3A_76], %broadcast_in_dim3A_74 {strides = array<i32>} : memref<1x512xf32, #tpu.memory_space<vmem>>, vector<1x512xf32>,
      %swap3A_78 = arith.constant 0.000000e+00 : f32
      %swap3A_79 = arith.constant 0 : index
      %swap3A_80 = arith.constant 0 : index
      %swap3A_81 = memref.load %arg8[%swap3A_79, %swap3A_80] : memref<1x1xf32, #tpu.memory_space<smem>>
      memref.store %swap3A_78, %arg8[%swap3A_79, %swap3A_80] : memref<1x1xf32, #tpu.memory_space<smem>>
      %broadcast_in_dim3A_82 = arith.constant 0.000000e+00 : f32
      %broadcast_in_dim3A_83 = vector.broadcast %broadcast_in_dim3A_82 : f32 to vector<1x1xf32>
      %swap3A_84 = arith.constant 0 : index
      %swap3A_85 = arith.constant 0 : index
      %swap3A_86 = vector.load %arg5[%swap3A_84, %swap3A_85] : memref<1x1xf32, #tpu.memory_space<vmem>>, vector<1x1xf32>
      tpu.vector_store %arg5[%swap3A_84, %swap3A_85], %broadcast_in_dim3A_83 {strides = array<i32>} : memref<1x1xf32, #tpu.memory_space<vmem>>, vector<1x1xf32>,
      %broadcast_in_dim3A_87 = arith.constant 0.000000e+00 : f32
      %broadcast_in_dim3A_88 = vector.broadcast %broadcast_in_dim3A_87 : f32 to vector<1x1xf32>
      %swap3A_89 = arith.constant 0 : index
      %swap3A_90 = arith.constant 0 : index
      %swap3A_91 = vector.load %arg6[%swap3A_89, %swap3A_90] : memref<1x1xf32, #tpu.memory_space<vmem>>, vector<1x1xf32>
      tpu.vector_store %arg6[%swap3A_89, %swap3A_90], %broadcast_in_dim3A_88 {strides = array<i32>} : memref<1x1xf32, #tpu.memory_space<vmem>>, vector<1x1xf32>,
    } else {
    }
    %get3A_54 = arith.constant 0 : index
    %get3A_55 = arith.constant 0 : index
    %get3A_56 = vector.load %arg7[%get3A_54, %get3A_55] : memref<1x512xf32, #tpu.memory_space<vmem>>, vector<1x512xf32>
    %add3A_57 = arith.addf %get3A_56, %broadcast_in_dim3A_33 : vector<1x512xf32>
    %swap3A_58 = arith.constant 0 : index
    %swap3A_59 = arith.constant 0 : index
    %swap3A_60 = vector.load %arg7[%swap3A_58, %swap3A_59] : memref<1x512xf32, #tpu.memory_space<vmem>>, vector<1x512xf32>
    tpu.vector_store %arg7[%swap3A_58, %swap3A_59], %add3A_57 {strides = array<i32>} : memref<1x512xf32, #tpu.memory_space<vmem>>, vector<1x512xf32>,
    %get3A_61 = arith.constant 0 : index
    %get3A_62 = arith.constant 0 : index
    %get3A_63 = memref.load %arg8[%get3A_61, %get3A_62] : memref<1x1xf32, #tpu.memory_space<smem>>
    %add3A_64 = arith.addf %get3A_63, %reduce_sum3A_49 : f32
    %swap3A_65 = arith.constant 0 : index
    %swap3A_66 = arith.constant 0 : index
    %swap3A_67 = memref.load %arg8[%swap3A_65, %swap3A_66] : memref<1x1xf32, #tpu.memory_space<smem>>
    memref.store %add3A_64, %arg8[%swap3A_65, %swap3A_66] : memref<1x1xf32, #tpu.memory_space<smem>>
    %eq3A_68 = arith.constant 31 : i32
    %eq3A_69 = arith.cmpi eq, %arg0, %eq3A_68 : i32
    %convert_element_type3A_70 = arith.extui %eq3A_69 : i1 to i32
    %cond3A_71 = arith.constant 0 : i32
    %cond3A_72 = arith.cmpi ne, %convert_element_type3A_70, %cond3A_71 : i32
    scf.if %cond3A_72 {
      %get3A_73 = arith.constant 0 : index
      %get3A_74 = arith.constant 0 : index
      %get3A_75 = vector.load %arg7[%get3A_73, %get3A_74] : memref<1x512xf32, #tpu.memory_space<vmem>>, vector<1x512xf32>
      %mul3A_76 = arith.constant 1.52587891E-5 : f32
      %mul3A_77 = vector.broadcast %mul3A_76 : f32 to vector<1x512xf32>
      %mul3A_78 = arith.mulf %get3A_75, %mul3A_77 : vector<1x512xf32>
      %add3A_79 = arith.constant 1.000000e-10 : f32
      %add3A_80 = vector.broadcast %add3A_79 : f32 to vector<1x512xf32>
      %add3A_81 = arith.addf %mul3A_78, %add3A_80 : vector<1x512xf32>
      %log3A = math.log %add3A_81 : vector<1x512xf32>
      %mul3A_82 = arith.mulf %mul3A_78, %log3A : vector<1x512xf32>
      %reduce_sum3A_83 = vector.shape_cast %mul3A_82 : vector<1x512xf32> to vector<1x1x512xf32>
      %reduce_sum3A_84 = arith.constant dense<0.000000e+00> : vector<1xf32>
      %reduce_sum3A_85 = vector.multi_reduction <add>, %reduce_sum3A_83, %reduce_sum3A_84 [1, 2] : vector<1x1x512xf32> to vector<1xf32>
      %reduce_sum3A_86 = vector.shape_cast %reduce_sum3A_85 : vector<1xf32> to vector<1x1x1xf32>
      %reduce_sum3A_87 = vector.extract %reduce_sum3A_86[0, 0, 0] : f32 from vector<1x1x1xf32>
      %neg3A = arith.constant 0.000000e+00 : f32
      %neg3A_88 = arith.subf %neg3A, %reduce_sum3A_87 : f32
      %exp3A_89 = math.exp %neg3A_88 : f32
      %reshape3A = vector.broadcast %exp3A_89 : f32 to vector<1x1xf32>
      %swap3A_90 = arith.constant 0 : index
      %swap3A_91 = arith.constant 0 : index
      %swap3A_92 = vector.load %arg6[%swap3A_90, %swap3A_91] : memref<1x1xf32, #tpu.memory_space<vmem>>, vector<1x1xf32>
      tpu.vector_store %arg6[%swap3A_90, %swap3A_91], %reshape3A {strides = array<i32>} : memref<1x1xf32, #tpu.memory_space<vmem>>, vector<1x1xf32>,
      %get3A_93 = arith.constant 0 : index
      %get3A_94 = arith.constant 0 : index
      %get3A_95 = memref.load %arg8[%get3A_93, %get3A_94] : memref<1x1xf32, #tpu.memory_space<smem>>
      %mul3A_96 = arith.constant 4.76837158E-7 : f32
      %mul3A_97 = arith.mulf %get3A_95, %mul3A_96 : f32
      %reshape3A_98 = vector.broadcast %mul3A_97 : f32 to vector<1x1xf32>
      %swap3A_99 = arith.constant 0 : index
      %swap3A_100 = arith.constant 0 : index
      %swap3A_101 = vector.load %arg5[%swap3A_99, %swap3A_100] : memref<1x1xf32, #tpu.memory_space<vmem>>, vector<1x1xf32>
      tpu.vector_store %arg5[%swap3A_99, %swap3A_100], %reshape3A_98 {strides = array<i32>} : memref<1x1xf32, #tpu.memory_space<vmem>>, vector<1x1xf32>,
    } else {
    }
    return
  }
  func.func @transform_0(%arg0: i32) -> (i32, i32) {
    %c0_i32 = arith.constant 0 : i32
    %c0_i32_0 = arith.constant 0 : i32
    return %arg0, %c0_i32 : i32, i32
  }
  func.func @transform_1(%arg0: i32) -> (i32, i32) {
    %c0_i32 = arith.constant 0 : i32
    %c0_i32_0 = arith.constant 0 : i32
    %c0_i32_1 = arith.constant 0 : i32
    return %c0_i32, %c0_i32_0 : i32, i32
  }
  func.func @transform_2(%arg0: i32) -> (i32, i32) {
    %c0_i32 = arith.constant 0 : i32
    %c0_i32_0 = arith.constant 0 : i32
    return %arg0, %c0_i32 : i32, i32
  }
  func.func @transform_3(%arg0: i32) -> i32 {
    %c0_i32 = arith.constant 0 : i32
    return %arg0 : i32
  }
  func.func @transform_4(%arg0: i32) -> (i32, i32) {
    %c0_i32 = arith.constant 0 : i32
    %c0_i32_0 = arith.constant 0 : i32
    %c0_i32_1 = arith.constant 0 : i32
    return %c0_i32, %c0_i32_0 : i32, i32
  }
  func.func @transform_5(%arg0: i32) -> (i32, i32) {
    %c0_i32 = arith.constant 0 : i32
    %c0_i32_0 = arith.constant 0 : i32
    %c0_i32_1 = arith.constant 0 : i32
    return %c0_i32, %c0_i32_0 : i32, i32
  }
}

</mosaic_0001>

<sc_bundles>
// kernel: kernel.4.cloned.1.call-start
scs
__scs_entry_jumppad:
0x0: {  	(pc) =	sbr.rel $0x88, $3  }
0x1: {  	(tag) =	ssettag $0x0;
	lr =	simm.s32 $0x1  }
0x2: {  	[smem:$0x3F9E] =	sst lr;
	_ =	strace $0xD0000000  }
0x3: {  	_ = 	snop  }
0x4: {  	_ = 	snop  }
0x5: {  	_ = 	snop  }
0x6: {  	_ = 	snop  }
0x7: {  	_ = 	snop  }
__scs_overlays_trampoline_lowered:
0x8: {  	[smem:$0x3FAD] =	sst s0  }
0x9: {  	[smem:$0x3FAE] =	sst s1  }
0xa: {  	[smem:$0x3FAF] =	sst s2  }
0xb: {  	[smem:$0x3FB0] =	sst s3  }
0xc: {  	[smem:$0x3FB1] =	sst s4  }
0xd: {  	[smem:$0x3FB2] =	sst s5  }
0xe: {  	[smem:$0x3FB3] =	sst s6  }
0xf: {  	[smem:$0x3FB4] =	sst s7  }
0x10: {  	[smem:$0x3FB5] =	sst s8  }
0x11: {  	[smem:$0x3FB6] =	sst s9;
	s0 =	simm.s32 @!p0 $0x0  }
0x12: {  	s1 =	sld [smem:$0x3F9C];
	s0 =	simm.s32 @p0 $0x1  }
0x13: {  	[smem:$0x3FB7] =	sst s0;
	s0 =	simm.s32 @!p1 $0x0  }
0x14: {  	s2 =	sld [smem:$0x3F9B];
	s0 =	simm.s32 @p1 $0x1  }
0x15: {  	[smem:$0x3FB8] =	sst s0;
	s0 =	simm.s32 @!p2 $0x0  }
0x16: {  	s3 =	sld [smem:$0x3FDB];
	s0 =	simm.s32 @p2 $0x1  }
0x17: {  	s4 =	simm.s32 $0x1BF5;
	[smem:$0x3FBA] =	sst s0  }
0x18: {  	s0 =	sld [smem:$0x3F9D];
	_ =	swait.ge [sflag:s4], $0x0  }
0x19: {  	s7 =	sld [smem:$0x3F9E]  }
0x1a: {  	s8 =	sadd.s32 $0xFFFFE003, lr  }
0x1b: {  	s9 =	sadd.s32 $0xFFFFFEF7, lr;
	s5 =	simm.s32 $0xFFFFFFFF;
	p2 =	slt.u32 s8, $0xFFFFF086  }
0x1c: {  	p1 =	slt.u32 s9, $0xF7A;
	s5 =	simm.s32 @!p2 $0x0  }
0x1d: {  	s5 =	simm.s32 @p1 $0x1;
	p0 =	seq.s32 s7, s2  }
0x1e: {  	s7 =	smul.u32 @!p0 $0xF7A, s2;
	p2 =	seq.s32 @!p0 s5, $0x0  }
0x1f: {  	s9 =	smul.u32 $0xF7A, s1;
	s8 =	simm.s32 @!p0 $0x1BF5;
	p2 =	por !p2, p0  }
0x20: {  	[sflag:s8] =	ssyncset.s32 @!p0 $0xFFFFF086;
	s6 =	sadd.s32 @!p0 s3, s7;
	s7 =	simm.s32 @!p0 $0x108  }
0x21: {  	s3 =	sadd.s32 s3, s9;
	s6 =	sadd.s32 @!p0 $0x88, s6;
	s7 =	simm.s32 @p2 $0x1082  }
0x22: {  	[simem:s7], [sflag:s8] =	dma.local @!p0 [hbm:s6], $0xF7A  }
0x23: {  	s9 =	sor.u32 $0xD0000000, s2;
	s6 =	simm.s32 $0x108;
	_ =	swait.ge @!p0 [sflag:s8], $0x0  }
0x24: {  	s3 =	sadd.s32 $0x88, s3;
	s6 =	simm.s32 @!p1 $0x1082;
	[sflag:s4] =	ssyncset.s32 $0xFFFFF086  }
0x25: {  	[simem:s6], [sflag:s4] =	dma.local [hbm:s3], $0xF7A  }
0x26: {  	[smem:$0x3F9E] =	sst s1;
	(tag) =	ssettag s2;
	_ =	strace s9  }
0x27: {  	s1 =	sld [smem:$0x3FAE]  }
0x28: {  	s2 =	sld [smem:$0x3FAF]  }
0x29: {  	s4 =	sld [smem:$0x3FB1]  }
0x2a: {  	p0 =	seq.s32 s5, $0x0;
	s5 =	sld [smem:$0x3FB2]  }
0x2b: {  	s6 =	sld [smem:$0x3FB3]  }
0x2c: {  	s7 =	sld [smem:$0x3FB4]  }
0x2d: {  	s3 =	simm.s32 $0x108;
	s8 =	sld [smem:$0x3FB5]  }
0x2e: {  	s3 =	simm.s32 @!p0 $0x1082;
	s9 =	sld [smem:$0x3FB6]  }
0x2f: {  	lr =	sadd.s32 s0, s3;
	s0 =	sld [smem:$0x3FAD]  }
0x30: {  	s3 =	sld [smem:$0x3FB0]  }
0x31: {  	[smem:$0x3FB9] =	sst s10  }
0x32: {  	s10 =	sld [smem:$0x3FB7];
	_ =	sdelay $0x3  }
0x33: {  	p0 =	seq.s32 s10, $0x1;
	s10 =	sld [smem:$0x3FB9];
	_ =	sdelay $0x3  }
0x34: {  	[smem:$0x3FB9] =	sst s10  }
0x35: {  	s10 =	sld [smem:$0x3FB8];
	_ =	sdelay $0x3  }
0x36: {  	p1 =	seq.s32 s10, $0x1;
	s10 =	sld [smem:$0x3FB9];
	_ =	sdelay $0x3  }
0x37: {  	[smem:$0x3FB9] =	sst s10  }
0x38: {  	s10 =	sld [smem:$0x3FBA]  }
0x39: {  	_ = 	snop;
	(pc) =	sbr.ind lr, $3  }
0x3a: {  	_ = 	snop  }
0x3b: {  	_ = 	snop  }
0x3c: {  	p2 =	seq.s32 s10, $0x1;
	s10 =	sld [smem:$0x3FB9]  }
0x3d: {  	_ =	shalt  }
0x3e: {  	_ =	shalt  }
0x3f: {  	_ =	shalt  }
0x40: {  	_ =	shalt  }
0x41: {  	_ =	shalt  }
0x42: {  	_ =	shalt  }
0x43: {  	_ =	shalt  }
0x44: {  	_ =	shalt  }
0x45: {  	_ =	shalt  }
0x46: {  	_ =	shalt  }
0x47: {  	_ =	shalt  }
0x48: {  	_ =	shalt  }
0x49: {  	_ =	shalt  }
0x4a: {  	_ =	shalt  }
0x4b: {  	_ =	shalt  }
0x4c: {  	_ =	shalt  }
0x4d: {  	_ =	shalt  }
0x4e: {  	_ =	shalt  }
0x4f: {  	_ =	shalt  }
0x50: {  	_ =	shalt  }
0x51: {  	_ =	shalt  }
0x52: {  	_ =	shalt  }
0x53: {  	_ =	shalt  }
0x54: {  	_ =	shalt  }
0x55: {  	_ =	shalt  }
0x56: {  	_ =	shalt  }
0x57: {  	_ =	shalt  }
0x58: {  	_ =	shalt  }
0x59: {  	_ =	shalt  }
0x5a: {  	_ =	shalt  }
0x5b: {  	_ =	shalt  }
0x5c: {  	_ =	shalt  }
0x5d: {  	_ =	shalt  }
0x5e: {  	_ =	shalt  }
0x5f: {  	_ =	shalt  }
0x60: {  	_ =	shalt  }
0x61: {  	_ =	shalt  }
0x62: {  	_ =	shalt  }
0x63: {  	_ =	shalt  }
0x64: {  	_ =	shalt  }
0x65: {  	_ =	shalt  }
0x66: {  	_ =	shalt  }
0x67: {  	_ =	shalt  }
0x68: {  	_ =	shalt  }
0x69: {  	_ =	shalt  }
0x6a: {  	_ =	shalt  }
0x6b: {  	_ =	shalt  }
0x6c: {  	_ =	shalt  }
0x6d: {  	_ =	shalt  }
0x6e: {  	_ =	shalt  }
0x6f: {  	_ =	shalt  }
0x70: {  	_ =	shalt  }
0x71: {  	_ =	shalt  }
0x72: {  	_ =	shalt  }
0x73: {  	_ =	shalt  }
0x74: {  	_ =	shalt  }
0x75: {  	_ =	shalt  }
0x76: {  	_ =	shalt  }
0x77: {  	_ =	shalt  }
0x78: {  	_ =	shalt  }
0x79: {  	_ =	shalt  }
0x7a: {  	_ =	shalt  }
0x7b: {  	_ =	shalt  }
0x7c: {  	_ =	shalt  }
0x7d: {  	_ =	shalt  }
0x7e: {  	_ =	shalt  }
0x7f: {  	_ =	shalt  }
0x80: {  	_ =	shalt  }
0x81: {  	_ =	shalt  }
0x82: {  	_ =	shalt  }
0x83: {  	_ =	shalt  }
0x84: {  	_ =	shalt  }
0x85: {  	_ =	shalt  }
0x86: {  	_ =	shalt  }
0x87: {  	_ =	shalt  }
.Lfunc_end0:
.L_simem_size_0:
called_computation_lowered:
.L_overlay_start_0:
0x88: {  	s2 =	sld [smem:$0x3FD9]  }
0x89: {  	s3 =	sld [smem:$0x3FFE];
	_ =	sdelay $0x1  }
0x8a: {  	s1 =	srdreg.scid  }
0x8b: {  	s0 =	sand.u32 $0x1, s1  }
0x8c: {  	s14 =	sshll.u32 s0, $0xA;
	s2 =	sadd.s32 s3, s2  }
0x8d: {  	s2 =	sadd.s32 s2, s14  }
0x8e: {  	[smem:$0x3FC5] =	sst s2  }
0x8f: {  	_ = 	snop  }
0x90: {  	s2 =	sld [smem:$0x3FD0];
	_ =	sdelay $0x2  }
0x91: {  	s15 =	simm.s32 $0xA;
	s4 =	simm.s32 $0x10  }
0x92: {  	[smem:s4], [sflag:s15] =	dma.local [hbm:s2], $0x1  }
0x93: {  	_ =	swait.eq [sflag:s15], $0x1  }
0x94: {  	[sflag:s15] =	ssyncset.done $0x0  }
0x95: {  	s16 =	sld [smem:$0x10];
	[sflag:s15] =	ssyncadd.s32 $0xFFFFFFFF  }
0x96: {  	s17 =	sld [smem:$0x11];
	(tm) =	ssettm $0x1  }
0x97: {  	s18 =	sld [smem:$0x3FFB];
	_ =	sdelay $0x3  }
0x98: {  	_ =	strace s18  }
0x99: {  	s4 =	sld [smem:$0x3FFC];
	_ =	sdelay $0x3  }
0x9a: {  	_ =	strace s4  }
0x9b: {  	s4 =	sld [smem:$0x3FFD];
	_ =	sdelay $0x3  }
0x9c: {  	_ =	strace s4  }
0x9d: {  	_ =	strace $0x8FFFFFFF  }
0x9e: {  	s19 =	sld [smem:$0x3FDB];
	_ =	sdelay $0x1  }
0x9f: {  	s5 =	simm.s32 $_scs_section_size  }
0xa0: {  	s6 =	simm.s32 $_size__tile_overlayer_lowered;
	s7 =	simm.s32 $_tile_overlayer_lowered  }
0xa1: {  	s22 =	simm.s32 $0x1BFF;
	s21 =	sshll.u32 s7, $0x1;
	s4 =	sadd.s32 s5, s19  }
0xa2: {  	s8 =	simm.s32 $0x0;
	s20 =	sshll.u32 s6, $0x1;
	s6 =	sadd.s32 s21, s4  }
0xa3: {  	[timem:s8], [sflag:s22] =	dma.local [hbm:s6], s20  }
0xa4: {  	_ =	swait.ge [sflag:s22], s20  }
0xa5: {  	s5 =	ssub.s32 $0x0, s20;
	[sflag:s22] =	ssyncset.done $0x0  }
0xa6: {  	[sflag:s22] =	ssyncadd.s32 s5;
	_ =	sdelay $0x1  }
0xa7: {  	s23 =	simm.s32 $0x1B8B  }
0xa8: {  	_ =	swait.ge [sflag:s23], $0x1  }
0xa9: {  	[sflag:s23] =	ssyncset.done $0x0  }
0xaa: {  	s25 =	simm.s32 $0x1B8E;
	s24 =	sld [smem:$0x3FFE];
	[sflag:s23] =	ssyncadd.s32 $0xFFFFFFFF  }
0xab: {  	s26 =	simm.s32 $execute0_lowered;
	[smem:$0x3FD2] =	sst s25  }
0xac: {  	s6 =	sshll.u32 s26, $0x1;
	_ =	strace $0x80000046;
	[dreg:$0x1] =	wrdreg $0xFFFFFFFF  }
0xad: {  	s28 =	simm.s32 $_size_execute0_lowered;
	s4 =	sadd.s32 s4, s6;
	[dreg:$0x0] =	wrdreg $0x0  }
0xae: {  	s6 =	sshll.u32 s28, $0x1;
	[dreg:$0x2] =	wrdreg s4  }
0xaf: {  	[dreg:$0x3] =	wrdreg s6  }
0xb0: {  	[dreg:$0x4] =	wrdreg $0xC0  }
0xb1: {  	_ =	task [dreg:s8], $0x5FFFF  }
0xb2: {  	[dreg:$0x1] =	wrdreg $0xFFFFFFFF  }
0xb3: {  	[dreg:$0x0] =	wrdreg $0x60  }
0xb4: {  	[dreg:$0x2] =	wrdreg s17  }
0xb5: {  	[dreg:$0x3] =	wrdreg s24  }
0xb6: {  	[dreg:$0x4] =	wrdreg s16  }
0xb7: {  	[dreg:$0x5] =	wrdreg $0x9  }
0xb8: {  	_ =	task.clear_ibuf [dreg:s8], $0x6FFFF;
	_ =	strace $0x90000046  }
0xb9: {  	s29 =	simm.s32 $0x9;
	_ =	strace $0x80000048  }
0xba: {  	_ =	swait.ge [sflag:s29], $0x1  }
0xbb: {  	[sflag:s29] =	ssyncadd.s32 $0xFFFFFFFF  }
0xbc: {  	_ =	strace $0x90000048  }
0xbd: {  	_ =	sfence  }
0xbe: {  	s30 =	sld [smem:$0x0];
	_ =	sdelay $0x2  }
0xbf: {  	s31 =	sshll.u32 s1, $0xD;
	s1 =	sshrl.u32 s1, $0x2  }
0xc0: {  	s3 =	sand.u32 $0x4000, s31;
	s1 =	sadd.s32 s1, s30  }
0xc1: {  	s0 =	sor.u32 s3, s0;
	s1 =	sshll.u32 s1, $0x11  }
0xc2: {  	s0 =	sor.u32 s1, s0  }
0xc3: {  	s0 =	sadd.s32 $0x8F2B, s0  }
0xc4: {  	[sflag:s0] =	ssyncadd.remote.s32 $0x1  }
0xc5: {  	_ =	sfence.sel $0xFFFF  }
0xc6: {  	[dreg:$0x0] =	wrdreg $0xFFFFFFFF;
	(pc) =	sbr.abs _section_cstart, $3  }
0xc7: {  	[dreg:$0x1] =	wrdreg $0xFFFFFFFF  }
0xc8: {  	_ =	task.clear_ibuf [dreg:s8], $0x2FFFF;
	_ =	strace $0x9FFFFFFF  }
0xc9: {  	(tm) =	ssettm $0x7FFFFFFF  }
tec
execute0_lowered:
.L_overlay_start_1:
0x0: {  	(tag) =	ssettag $0x1  }
0x1: {  	s1 =	srdreg.scid  }
0x2: {  	s3 =	rddreg [dreg:$0x0];
	s0 =	stileid.u32;
	s1 =	sand.u32 $0x1, s1  }
0x3: {  	s5 =	rddreg [dreg:$0x1];
	s6 =	sshll.u32 s0, $0xC;
	s7 =	sshll.u32 s1, $0xB  }
0x4: {  	s4 =	rddreg [dreg:$0x2];
	s6 =	sor.u32 s7, s6  }
0x5: {  	s2 =	simm.s32 $0x0;
	s7 =	sshrl.u32 s6, $0x3;
	s6 =	sshll.u32 s6, $0x2  }
0x6: {  	[smem:$0x7FF] =	sst s2;
	s7 =	sadd.s32 s3, s7;
	s3 =	sadd.s32 s4, s6  }
0x7: {  	_ =	strace $0x80000047;
	[dreg:$0x4] =	wrdreg s7;
	s4 =	sadd.s32 $0x200, s3  }
0x8: {  	s18 =	sadd.s32 $0x1C00, s3;
	[dreg:$0x5] =	wrdreg s4  }
0x9: {  	s19 =	sadd.s32 $0x1E00, s3;
	[dreg:$0x6] =	wrdreg s18  }
0xa: {  	s20 =	sadd.s32 $0x400, s3;
	[dreg:$0x7] =	wrdreg s19  }
0xb: {  	s21 =	sadd.s32 $0x600, s3;
	[dreg:$0x8] =	wrdreg s20  }
0xc: {  	s22 =	sadd.s32 $0x800, s3;
	[dreg:$0x9] =	wrdreg s21  }
0xd: {  	s23 =	sadd.s32 $0xA00, s3;
	[dreg:$0xa] =	wrdreg s22  }
0xe: {  	[dreg:$0xb] =	wrdreg s23  }
0xf: {  	s24 =	sadd.s32 $0xC00, s3;
	s25 =	rddreg [dreg:$0x4]  }
0x10: {  	s26 =	sadd.s32 $0xE00, s3;
	[dreg:$0xc] =	wrdreg s24  }
0x11: {  	[dreg:$0xd] =	wrdreg s26;
	s4 =	simm.s32 $0x3  }
0x12: {  	[tilespmem:s2], [sflag:$0x3] =	stream.linear.gather [hbm4b:s25+s2], $0x800, $0x38;
	[tilespmem:$0x2800] =	vst v63  }
0x13: {  	_ =	swait.ge [sflag:s4], $0x800  }
0x14: {  	s5 =	sadd.s32 $0xF42E00, s5;
	[sflag:s4] =	ssyncset.done $0x0  }
0x15: {  	s6 =	simm.s32 $0x80;
	s7 =	simm.s32 $0x800;
	[sflag:s4] =	ssyncadd.s32 $0xFFFFF800  }
0x16: {  	[tilespmem:s7], [sflag:$0x1] =	stream.indirect.gather [hbm4b:s5+s6], $0x20, s2, s6, $0xb8;
	[tilespmem:$0x2800] =	vst v63  }
0x17: {  	s8 =	simm.s32 $0x1800;
	s9 =	simm.s32 $0x1  }
0x18: {  	[tilespmem:s8], [sflag:$0x2] =	stream.indirect.gather [hbm4b:s5+s6], $0x20, s6, s6, $0xb8;
	[tilespmem:$0x2800] =	vst v63  }
0x19: {  	_ =	swait.ge [sflag:s9], $0x1000  }
0x1a: {  	[sflag:s9] =	ssyncset.done $0x0  }
0x1b: {  	[sflag:s9] =	ssyncadd.s32 $0xFFFFF000  }
0x1c: {  	[hbm4b:s3+s2] =	stream.linear.scatter [tilespmem:s7], [sflag:$0x3], $0x1000, $0x38;
	[tilespmem:$0x2800] =	vst v63  }
0x1d: {  	_ =	swait.ge [sflag:s4], $0x1000  }
0x1e: {  	[sflag:s4] =	ssyncset.done $0x0  }
0x1f: {  	s10 =	simm.s32 $0x100;
	s11 =	simm.s32 $0x2;
	[sflag:s4] =	ssyncadd.s32 $0xFFFFF000  }
0x20: {  	[tilespmem:s7], [sflag:$0x1] =	stream.indirect.gather [hbm4b:s5+s6], $0x20, s10, s6, $0xb8;
	[tilespmem:$0x2800] =	vst v63  }
0x21: {  	_ =	swait.ge [sflag:s11], $0x1000  }
0x22: {  	[sflag:s11] =	ssyncset.done $0x0  }
0x23: {  	s12 =	rddreg [dreg:$0x5];
	[sflag:s11] =	ssyncadd.s32 $0xFFFFF000  }
0x24: {  	[hbm4b:s12+s2] =	stream.linear.scatter [tilespmem:s8], [sflag:$0x3], $0x1000, $0x38;
	[tilespmem:$0x2800] =	vst v63  }
0x25: {  	_ =	swait.ge [sflag:s4], $0x1000  }
0x26: {  	[sflag:s4] =	ssyncset.done $0x0  }
0x27: {  	s12 =	simm.s32 $0x180;
	[sflag:s4] =	ssyncadd.s32 $0xFFFFF000  }
0x28: {  	[tilespmem:s8], [sflag:$0x2] =	stream.indirect.gather [hbm4b:s5+s6], $0x20, s12, s6, $0xb8;
	[tilespmem:$0x2800] =	vst v63  }
0x29: {  	_ =	swait.ge [sflag:s9], $0x1000  }
0x2a: {  	[sflag:s9] =	ssyncset.done $0x0  }
0x2b: {  	s13 =	rddreg [dreg:$0x8];
	[sflag:s9] =	ssyncadd.s32 $0xFFFFF000  }
0x2c: {  	[hbm4b:s13+s2] =	stream.linear.scatter [tilespmem:s7], [sflag:$0x3], $0x1000, $0x38;
	[tilespmem:$0x2800] =	vst v63  }
0x2d: {  	_ =	swait.ge [sflag:s4], $0x1000  }
0x2e: {  	[sflag:s4] =	ssyncset.done $0x0  }
0x2f: {  	s13 =	simm.s32 $0x200;
	[sflag:s4] =	ssyncadd.s32 $0xFFFFF000  }
0x30: {  	[tilespmem:s7], [sflag:$0x1] =	stream.indirect.gather [hbm4b:s5+s6], $0x20, s13, s6, $0xb8;
	[tilespmem:$0x2800] =	vst v63  }
0x31: {  	_ =	swait.ge [sflag:s11], $0x1000  }
0x32: {  	[sflag:s11] =	ssyncset.done $0x0  }
0x33: {  	s14 =	rddreg [dreg:$0x9];
	[sflag:s11] =	ssyncadd.s32 $0xFFFFF000  }
0x34: {  	[hbm4b:s14+s2] =	stream.linear.scatter [tilespmem:s8], [sflag:$0x3], $0x1000, $0x38;
	[tilespmem:$0x2800] =	vst v63  }
0x35: {  	_ =	swait.ge [sflag:s4], $0x1000  }
0x36: {  	[sflag:s4] =	ssyncset.done $0x0  }
0x37: {  	s14 =	simm.s32 $0x280;
	[sflag:s4] =	ssyncadd.s32 $0xFFFFF000  }
0x38: {  	[tilespmem:s8], [sflag:$0x2] =	stream.indirect.gather [hbm4b:s5+s6], $0x20, s14, s6, $0xb8;
	[tilespmem:$0x2800] =	vst v63  }
0x39: {  	_ =	swait.ge [sflag:s9], $0x1000  }
0x3a: {  	[sflag:s9] =	ssyncset.done $0x0  }
0x3b: {  	s15 =	rddreg [dreg:$0xa];
	[sflag:s9] =	ssyncadd.s32 $0xFFFFF000  }
0x3c: {  	[hbm4b:s15+s2] =	stream.linear.scatter [tilespmem:s7], [sflag:$0x3], $0x1000, $0x38;
	[tilespmem:$0x2800] =	vst v63  }
0x3d: {  	_ =	swait.ge [sflag:s4], $0x1000  }
0x3e: {  	[sflag:s4] =	ssyncset.done $0x0  }
0x3f: {  	s15 =	simm.s32 $0x300;
	[sflag:s4] =	ssyncadd.s32 $0xFFFFF000  }
0x40: {  	[tilespmem:s7], [sflag:$0x1] =	stream.indirect.gather [hbm4b:s5+s6], $0x20, s15, s6, $0xb8;
	[tilespmem:$0x2800] =	vst v63  }
0x41: {  	_ =	swait.ge [sflag:s11], $0x1000  }
0x42: {  	[sflag:s11] =	ssyncset.done $0x0  }
0x43: {  	s16 =	rddreg [dreg:$0xb];
	[sflag:s11] =	ssyncadd.s32 $0xFFFFF000  }
0x44: {  	[hbm4b:s16+s2] =	stream.linear.scatter [tilespmem:s8], [sflag:$0x3], $0x1000, $0x38;
	[tilespmem:$0x2800] =	vst v63  }
0x45: {  	_ =	swait.ge [sflag:s4], $0x1000  }
0x46: {  	[sflag:s4] =	ssyncset.done $0x0  }
0x47: {  	s16 =	simm.s32 $0x380;
	[sflag:s4] =	ssyncadd.s32 $0xFFFFF000  }
0x48: {  	[tilespmem:s8], [sflag:$0x2] =	stream.indirect.gather [hbm4b:s5+s6], $0x20, s16, s6, $0xb8;
	[tilespmem:$0x2800] =	vst v63  }
0x49: {  	_ =	swait.ge [sflag:s9], $0x1000  }
0x4a: {  	[sflag:s9] =	ssyncset.done $0x0  }
0x4b: {  	s17 =	rddreg [dreg:$0xc];
	[sflag:s9] =	ssyncadd.s32 $0xFFFFF000  }
0x4c: {  	[hbm4b:s17+s2] =	stream.linear.scatter [tilespmem:s7], [sflag:$0x3], $0x1000, $0x38;
	[tilespmem:$0x2800] =	vst v63  }
0x4d: {  	_ =	swait.ge [sflag:s4], $0x1000  }
0x4e: {  	[sflag:s4] =	ssyncset.done $0x0  }
0x4f: {  	s17 =	simm.s32 $0x400;
	[sflag:s4] =	ssyncadd.s32 $0xFFFFF000  }
0x50: {  	[tilespmem:s7], [sflag:$0x1] =	stream.indirect.gather [hbm4b:s5+s6], $0x20, s17, s6, $0xb8;
	[tilespmem:$0x2800] =	vst v63  }
0x51: {  	_ =	swait.ge [sflag:s11], $0x1000  }
0x52: {  	[sflag:s11] =	ssyncset.done $0x0  }
0x53: {  	s18 =	rddreg [dreg:$0xd];
	[sflag:s11] =	ssyncadd.s32 $0xFFFFF000  }
0x54: {  	[hbm4b:s18+s2] =	stream.linear.scatter [tilespmem:s8], [sflag:$0x3], $0x1000, $0x38;
	[tilespmem:$0x2800] =	vst v63  }
0x55: {  	_ =	swait.ge [sflag:s4], $0x1000  }
0x56: {  	[sflag:s4] =	ssyncset.done $0x0  }
0x57: {  	s18 =	simm.s32 $0x480;
	[sflag:s4] =	ssyncadd.s32 $0xFFFFF000  }
0x58: {  	[tilespmem:s8], [sflag:$0x2] =	stream.indirect.gather [hbm4b:s5+s6], $0x20, s18, s6, $0xb8;
	[tilespmem:$0x2800] =	vst v63  }
0x59: {  	_ =	swait.ge [sflag:s9], $0x1000  }
0x5a: {  	[sflag:s9] =	ssyncset.done $0x0  }
0x5b: {  	s19 =	sadd.s32 $0x1000, s3;
	[sflag:s9] =	ssyncadd.s32 $0xFFFFF000  }
0x5c: {  	[hbm4b:s19+s2] =	stream.linear.scatter [tilespmem:s7], [sflag:$0x3], $0x1000, $0x38;
	[tilespmem:$0x2800] =	vst v63  }
0x5d: {  	_ =	swait.ge [sflag:s4], $0x1000  }
0x5e: {  	[sflag:s4] =	ssyncset.done $0x0  }
0x5f: {  	s20 =	simm.s32 $0x500;
	[sflag:s4] =	ssyncadd.s32 $0xFFFFF000  }
0x60: {  	[tilespmem:s7], [sflag:$0x1] =	stream.indirect.gather [hbm4b:s5+s6], $0x20, s20, s6, $0xb8;
	[tilespmem:$0x2800] =	vst v63  }
0x61: {  	_ =	swait.ge [sflag:s11], $0x1000  }
0x62: {  	[sflag:s11] =	ssyncset.done $0x0  }
0x63: {  	s21 =	sadd.s32 $0x1200, s3;
	[sflag:s11] =	ssyncadd.s32 $0xFFFFF000  }
0x64: {  	[hbm4b:s21+s2] =	stream.linear.scatter [tilespmem:s8], [sflag:$0x3], $0x1000, $0x38;
	[tilespmem:$0x2800] =	vst v63  }
0x65: {  	_ =	swait.ge [sflag:s4], $0x1000  }
0x66: {  	[sflag:s4] =	ssyncset.done $0x0  }
0x67: {  	s22 =	simm.s32 $0x580;
	[sflag:s4] =	ssyncadd.s32 $0xFFFFF000  }
0x68: {  	[tilespmem:s8], [sflag:$0x2] =	stream.indirect.gather [hbm4b:s5+s6], $0x20, s22, s6, $0xb8;
	[tilespmem:$0x2800] =	vst v63  }
0x69: {  	_ =	swait.ge [sflag:s9], $0x1000  }
0x6a: {  	[sflag:s9] =	ssyncset.done $0x0  }
0x6b: {  	s23 =	sadd.s32 $0x1400, s3;
	[sflag:s9] =	ssyncadd.s32 $0xFFFFF000  }
0x6c: {  	[hbm4b:s23+s2] =	stream.linear.scatter [tilespmem:s7], [sflag:$0x3], $0x1000, $0x38;
	[tilespmem:$0x2800] =	vst v63  }
0x6d: {  	_ =	swait.ge [sflag:s4], $0x1000  }
0x6e: {  	[sflag:s4] =	ssyncset.done $0x0  }
0x6f: {  	s24 =	simm.s32 $0x600;
	[sflag:s4] =	ssyncadd.s32 $0xFFFFF000  }
0x70: {  	[tilespmem:s7], [sflag:$0x1] =	stream.indirect.gather [hbm4b:s5+s6], $0x20, s24, s6, $0xb8;
	[tilespmem:$0x2800] =	vst v63  }
0x71: {  	_ =	swait.ge [sflag:s11], $0x1000  }
0x72: {  	[sflag:s11] =	ssyncset.done $0x0  }
0x73: {  	s25 =	sadd.s32 $0x1600, s3;
	[sflag:s11] =	ssyncadd.s32 $0xFFFFF000  }
0x74: {  	[hbm4b:s25+s2] =	stream.linear.scatter [tilespmem:s8], [sflag:$0x3], $0x1000, $0x38;
	[tilespmem:$0x2800] =	vst v63  }
0x75: {  	_ =	swait.ge [sflag:s4], $0x1000  }
0x76: {  	[sflag:s4] =	ssyncset.done $0x0  }
0x77: {  	s26 =	simm.s32 $0x680;
	[sflag:s4] =	ssyncadd.s32 $0xFFFFF000  }
0x78: {  	[tilespmem:s8], [sflag:$0x2] =	stream.indirect.gather [hbm4b:s5+s6], $0x20, s26, s6, $0xb8;
	[tilespmem:$0x2800] =	vst v63  }
0x79: {  	_ =	swait.ge [sflag:s9], $0x1000  }
0x7a: {  	[sflag:s9] =	ssyncset.done $0x0  }
0x7b: {  	s28 =	sadd.s32 $0x1800, s3;
	[sflag:s9] =	ssyncadd.s32 $0xFFFFF000  }
0x7c: {  	[hbm4b:s28+s2] =	stream.linear.scatter [tilespmem:s7], [sflag:$0x3], $0x1000, $0x38;
	[tilespmem:$0x2800] =	vst v63  }
0x7d: {  	_ =	swait.ge [sflag:s4], $0x1000  }
0x7e: {  	[sflag:s4] =	ssyncset.done $0x0  }
0x7f: {  	s29 =	simm.s32 $0x700;
	[sflag:s4] =	ssyncadd.s32 $0xFFFFF000  }
0x80: {  	[tilespmem:s7], [sflag:$0x1] =	stream.indirect.gather [hbm4b:s5+s6], $0x20, s29, s6, $0xb8;
	[tilespmem:$0x2800] =	vst v63  }
0x81: {  	_ =	swait.ge [sflag:s11], $0x1000  }
0x82: {  	[sflag:s11] =	ssyncset.done $0x0  }
0x83: {  	s30 =	sadd.s32 $0x1A00, s3;
	[sflag:s11] =	ssyncadd.s32 $0xFFFFF000  }
0x84: {  	[hbm4b:s30+s2] =	stream.linear.scatter [tilespmem:s8], [sflag:$0x3], $0x1000, $0x38;
	[tilespmem:$0x2800] =	vst v63  }
0x85: {  	_ =	swait.ge [sflag:s4], $0x1000  }
0x86: {  	[sflag:s4] =	ssyncset.done $0x0  }
0x87: {  	s31 =	simm.s32 $0x780;
	[sflag:s4] =	ssyncadd.s32 $0xFFFFF000  }
0x88: {  	[tilespmem:s8], [sflag:$0x2] =	stream.indirect.gather [hbm4b:s5+s6], $0x20, s31, s6, $0xb8;
	[tilespmem:$0x2800] =	vst v63  }
0x89: {  	_ =	swait.ge [sflag:s9], $0x1000  }
0x8a: {  	[sflag:s9] =	ssyncset.done $0x0  }
0x8b: {  	s0 =	rddreg [dreg:$0x6];
	[sflag:s9] =	ssyncadd.s32 $0xFFFFF000  }
0x8c: {  	[hbm4b:s0+s2] =	stream.linear.scatter [tilespmem:s7], [sflag:$0x3], $0x1000, $0x38;
	[tilespmem:$0x2800] =	vst v63  }
0x8d: {  	_ =	swait.ge [sflag:s4], $0x1000  }
0x8e: {  	[sflag:s4] =	ssyncset.done $0x0  }
0x8f: {  	[sflag:s4] =	ssyncadd.s32 $0xFFFFF000  }
0x90: {  	_ =	swait.ge [sflag:s11], $0x1000  }
0x91: {  	s0 =	ssub.s32 $0x2, s1;
	s1 =	rddreg [dreg:$0x7]  }
0x92: {  	[dreg:$0xe] =	wrdreg s1;
	s1 =	sshrl.u32 s0, $0x1  }
0x93: {  	s0 =	ssub.s32 s0, s1  }
0x94: {  	s0 =	smax.u32 s0, $0x1  }
0x95: {  	p0 =	sne.s32 s0, $0x1  }
.Ltmp0:
0x96: {  	_ = 	snop;
	(pc) =	sbr.rel @!p0 .LBB2_2-.Ltmp0, $4  }
0x97: {  	[sflag:s11] =	ssyncset.done $0x0  }
0x98: {  	[sflag:s11] =	ssyncadd.s32 $0xFFFFF000;
	s1 =	rddreg [dreg:$0xe]  }
0x99: {  	[hbm4b:s1+s2] =	stream.linear.scatter [tilespmem:s8], [sflag:$0x3], $0x1000, $0x38;
	[tilespmem:$0x2800] =	vst v63  }
0x9a: {  	s1 =	sadd.s32 $0xFFFFFFFF, s0;
	_ =	swait.ge [sflag:s4], $0x1000  }
.LBB2_1:
0x9b: {  	[sflag:s4] =	ssyncset.done $0x0  }
0x9c: {  	s0 =	rddreg [dreg:$0x4];
	[sflag:s4] =	ssyncadd.s32 $0xFFFFF000  }
0x9d: {  	[tilespmem:s2], [sflag:$0x3] =	stream.linear.gather [hbm4b:s0+s2], $0x800, $0x38;
	[tilespmem:$0x2800] =	vst v63  }
0x9e: {  	_ =	swait.ge [sflag:s4], $0x800  }
0x9f: {  	[sflag:s4] =	ssyncset.done $0x0  }
0xa0: {  	[sflag:s4] =	ssyncadd.s32 $0xFFFFF800  }
0xa1: {  	[tilespmem:s7], [sflag:$0x1] =	stream.indirect.gather [hbm4b:s5+s6], $0x20, s2, s6, $0xb8;
	[tilespmem:$0x2800] =	vst v63  }
0xa2: {  	_ = 	snop  }
0xa3: {  	[tilespmem:s8], [sflag:$0x2] =	stream.indirect.gather [hbm4b:s5+s6], $0x20, s6, s6, $0xb8;
	[tilespmem:$0x2800] =	vst v63  }
0xa4: {  	_ =	swait.ge [sflag:s9], $0x1000  }
0xa5: {  	[sflag:s9] =	ssyncset.done $0x0  }
0xa6: {  	[sflag:s9] =	ssyncadd.s32 $0xFFFFF000  }
0xa7: {  	[hbm4b:s3+s2] =	stream.linear.scatter [tilespmem:s7], [sflag:$0x3], $0x1000, $0x38;
	[tilespmem:$0x2800] =	vst v63  }
0xa8: {  	_ =	swait.ge [sflag:s4], $0x1000  }
0xa9: {  	[sflag:s4] =	ssyncset.done $0x0  }
0xaa: {  	[sflag:s4] =	ssyncadd.s32 $0xFFFFF000  }
0xab: {  	[tilespmem:s7], [sflag:$0x1] =	stream.indirect.gather [hbm4b:s5+s6], $0x20, s10, s6, $0xb8;
	[tilespmem:$0x2800] =	vst v63  }
0xac: {  	_ =	swait.ge [sflag:s11], $0x1000  }
0xad: {  	[sflag:s11] =	ssyncset.done $0x0  }
0xae: {  	s0 =	rddreg [dreg:$0x5];
	[sflag:s11] =	ssyncadd.s32 $0xFFFFF000  }
0xaf: {  	[hbm4b:s0+s2] =	stream.linear.scatter [tilespmem:s8], [sflag:$0x3], $0x1000, $0x38;
	[tilespmem:$0x2800] =	vst v63  }
0xb0: {  	_ =	swait.ge [sflag:s4], $0x1000  }
0xb1: {  	[sflag:s4] =	ssyncset.done $0x0  }
0xb2: {  	[sflag:s4] =	ssyncadd.s32 $0xFFFFF000  }
0xb3: {  	[tilespmem:s8], [sflag:$0x2] =	stream.indirect.gather [hbm4b:s5+s6], $0x20, s12, s6, $0xb8;
	[tilespmem:$0x2800] =	vst v63  }
0xb4: {  	_ =	swait.ge [sflag:s9], $0x1000  }
0xb5: {  	[sflag:s9] =	ssyncset.done $0x0  }
0xb6: {  	s0 =	rddreg [dreg:$0x8];
	[sflag:s9] =	ssyncadd.s32 $0xFFFFF000  }
0xb7: {  	[hbm4b:s0+s2] =	stream.linear.scatter [tilespmem:s7], [sflag:$0x3], $0x1000, $0x38;
	[tilespmem:$0x2800] =	vst v63  }
0xb8: {  	_ =	swait.ge [sflag:s4], $0x1000  }
0xb9: {  	[sflag:s4] =	ssyncset.done $0x0  }
0xba: {  	[sflag:s4] =	ssyncadd.s32 $0xFFFFF000  }
0xbb: {  	[tilespmem:s7], [sflag:$0x1] =	stream.indirect.gather [hbm4b:s5+s6], $0x20, s13, s6, $0xb8;
	[tilespmem:$0x2800] =	vst v63  }
0xbc: {  	_ =	swait.ge [sflag:s11], $0x1000  }
0xbd: {  	[sflag:s11] =	ssyncset.done $0x0  }
0xbe: {  	s0 =	rddreg [dreg:$0x9];
	[sflag:s11] =	ssyncadd.s32 $0xFFFFF000  }
0xbf: {  	[hbm4b:s0+s2] =	stream.linear.scatter [tilespmem:s8], [sflag:$0x3], $0x1000, $0x38;
	[tilespmem:$0x2800] =	vst v63  }
0xc0: {  	_ =	swait.ge [sflag:s4], $0x1000  }
0xc1: {  	[sflag:s4] =	ssyncset.done $0x0  }
0xc2: {  	[sflag:s4] =	ssyncadd.s32 $0xFFFFF000  }
0xc3: {  	[tilespmem:s8], [sflag:$0x2] =	stream.indirect.gather [hbm4b:s5+s6], $0x20, s14, s6, $0xb8;
	[tilespmem:$0x2800] =	vst v63  }
0xc4: {  	_ =	swait.ge [sflag:s9], $0x1000  }
0xc5: {  	[sflag:s9] =	ssyncset.done $0x0  }
0xc6: {  	s0 =	rddreg [dreg:$0xa];
	[sflag:s9] =	ssyncadd.s32 $0xFFFFF000  }
0xc7: {  	[hbm4b:s0+s2] =	stream.linear.scatter [tilespmem:s7], [sflag:$0x3], $0x1000, $0x38;
	[tilespmem:$0x2800] =	vst v63  }
0xc8: {  	_ =	swait.ge [sflag:s4], $0x1000  }
0xc9: {  	[sflag:s4] =	ssyncset.done $0x0  }
0xca: {  	[sflag:s4] =	ssyncadd.s32 $0xFFFFF000  }
0xcb: {  	[tilespmem:s7], [sflag:$0x1] =	stream.indirect.gather [hbm4b:s5+s6], $0x20, s15, s6, $0xb8;
	[tilespmem:$0x2800] =	vst v63  }
0xcc: {  	_ =	swait.ge [sflag:s11], $0x1000  }
0xcd: {  	[sflag:s11] =	ssyncset.done $0x0  }
0xce: {  	s0 =	rddreg [dreg:$0xb];
	[sflag:s11] =	ssyncadd.s32 $0xFFFFF000  }
0xcf: {  	[hbm4b:s0+s2] =	stream.linear.scatter [tilespmem:s8], [sflag:$0x3], $0x1000, $0x38;
	[tilespmem:$0x2800] =	vst v63  }
0xd0: {  	_ =	swait.ge [sflag:s4], $0x1000  }
0xd1: {  	[sflag:s4] =	ssyncset.done $0x0  }
0xd2: {  	[sflag:s4] =	ssyncadd.s32 $0xFFFFF000  }
0xd3: {  	[tilespmem:s8], [sflag:$0x2] =	stream.indirect.gather [hbm4b:s5+s6], $0x20, s16, s6, $0xb8;
	[tilespmem:$0x2800] =	vst v63  }
0xd4: {  	_ =	swait.ge [sflag:s9], $0x1000  }
0xd5: {  	[sflag:s9] =	ssyncset.done $0x0  }
0xd6: {  	s0 =	rddreg [dreg:$0xc];
	[sflag:s9] =	ssyncadd.s32 $0xFFFFF000  }
0xd7: {  	[hbm4b:s0+s2] =	stream.linear.scatter [tilespmem:s7], [sflag:$0x3], $0x1000, $0x38;
	[tilespmem:$0x2800] =	vst v63  }
0xd8: {  	_ =	swait.ge [sflag:s4], $0x1000  }
0xd9: {  	[sflag:s4] =	ssyncset.done $0x0  }
0xda: {  	[sflag:s4] =	ssyncadd.s32 $0xFFFFF000  }
0xdb: {  	[tilespmem:s7], [sflag:$0x1] =	stream.indirect.gather [hbm4b:s5+s6], $0x20, s17, s6, $0xb8;
	[tilespmem:$0x2800] =	vst v63  }
0xdc: {  	_ =	swait.ge [sflag:s11], $0x1000  }
0xdd: {  	[sflag:s11] =	ssyncset.done $0x0  }
0xde: {  	s0 =	rddreg [dreg:$0xd];
	[sflag:s11] =	ssyncadd.s32 $0xFFFFF000  }
0xdf: {  	[hbm4b:s0+s2] =	stream.linear.scatter [tilespmem:s8], [sflag:$0x3], $0x1000, $0x38;
	[tilespmem:$0x2800] =	vst v63  }
0xe0: {  	_ =	swait.ge [sflag:s4], $0x1000  }
0xe1: {  	[sflag:s4] =	ssyncset.done $0x0  }
0xe2: {  	[sflag:s4] =	ssyncadd.s32 $0xFFFFF000  }
0xe3: {  	[tilespmem:s8], [sflag:$0x2] =	stream.indirect.gather [hbm4b:s5+s6], $0x20, s18, s6, $0xb8;
	[tilespmem:$0x2800] =	vst v63  }
0xe4: {  	_ =	swait.ge [sflag:s9], $0x1000  }
0xe5: {  	[sflag:s9] =	ssyncset.done $0x0  }
0xe6: {  	[sflag:s9] =	ssyncadd.s32 $0xFFFFF000  }
0xe7: {  	[hbm4b:s19+s2] =	stream.linear.scatter [tilespmem:s7], [sflag:$0x3], $0x1000, $0x38;
	[tilespmem:$0x2800] =	vst v63  }
0xe8: {  	_ =	swait.ge [sflag:s4], $0x1000  }
0xe9: {  	[sflag:s4] =	ssyncset.done $0x0  }
0xea: {  	[sflag:s4] =	ssyncadd.s32 $0xFFFFF000  }
0xeb: {  	[tilespmem:s7], [sflag:$0x1] =	stream.indirect.gather [hbm4b:s5+s6], $0x20, s20, s6, $0xb8;
	[tilespmem:$0x2800] =	vst v63  }
0xec: {  	_ =	swait.ge [sflag:s11], $0x1000  }
0xed: {  	[sflag:s11] =	ssyncset.done $0x0  }
0xee: {  	[sflag:s11] =	ssyncadd.s32 $0xFFFFF000  }
0xef: {  	[hbm4b:s21+s2] =	stream.linear.scatter [tilespmem:s8], [sflag:$0x3], $0x1000, $0x38;
	[tilespmem:$0x2800] =	vst v63  }
0xf0: {  	_ =	swait.ge [sflag:s4], $0x1000  }
0xf1: {  	[sflag:s4] =	ssyncset.done $0x0  }
0xf2: {  	[sflag:s4] =	ssyncadd.s32 $0xFFFFF000  }
0xf3: {  	[tilespmem:s8], [sflag:$0x2] =	stream.indirect.gather [hbm4b:s5+s6], $0x20, s22, s6, $0xb8;
	[tilespmem:$0x2800] =	vst v63  }
0xf4: {  	_ =	swait.ge [sflag:s9], $0x1000  }
0xf5: {  	[sflag:s9] =	ssyncset.done $0x0  }
0xf6: {  	[sflag:s9] =	ssyncadd.s32 $0xFFFFF000  }
0xf7: {  	[hbm4b:s23+s2] =	stream.linear.scatter [tilespmem:s7], [sflag:$0x3], $0x1000, $0x38;
	[tilespmem:$0x2800] =	vst v63  }
0xf8: {  	_ =	swait.ge [sflag:s4], $0x1000  }
0xf9: {  	[sflag:s4] =	ssyncset.done $0x0  }
0xfa: {  	[sflag:s4] =	ssyncadd.s32 $0xFFFFF000  }
0xfb: {  	[tilespmem:s7], [sflag:$0x1] =	stream.indirect.gather [hbm4b:s5+s6], $0x20, s24, s6, $0xb8;
	[tilespmem:$0x2800] =	vst v63  }
0xfc: {  	_ =	swait.ge [sflag:s11], $0x1000  }
0xfd: {  	[sflag:s11] =	ssyncset.done $0x0  }
0xfe: {  	[sflag:s11] =	ssyncadd.s32 $0xFFFFF000  }
0xff: {  	[hbm4b:s25+s2] =	stream.linear.scatter [tilespmem:s8], [sflag:$0x3], $0x1000, $0x38;
	[tilespmem:$0x2800] =	vst v63  }
0x100: {  	_ =	swait.ge [sflag:s4], $0x1000  }
0x101: {  	[sflag:s4] =	ssyncset.done $0x0  }
0x102: {  	[sflag:s4] =	ssyncadd.s32 $0xFFFFF000  }
0x103: {  	[tilespmem:s8], [sflag:$0x2] =	stream.indirect.gather [hbm4b:s5+s6], $0x20, s26, s6, $0xb8;
	[tilespmem:$0x2800] =	vst v63  }
0x104: {  	_ =	swait.ge [sflag:s9], $0x1000  }
0x105: {  	[sflag:s9] =	ssyncset.done $0x0  }
0x106: {  	[sflag:s9] =	ssyncadd.s32 $0xFFFFF000  }
0x107: {  	[hbm4b:s28+s2] =	stream.linear.scatter [tilespmem:s7], [sflag:$0x3], $0x1000, $0x38;
	[tilespmem:$0x2800] =	vst v63  }
0x108: {  	_ =	swait.ge [sflag:s4], $0x1000  }
0x109: {  	[sflag:s4] =	ssyncset.done $0x0  }
0x10a: {  	[sflag:s4] =	ssyncadd.s32 $0xFFFFF000  }
0x10b: {  	[tilespmem:s7], [sflag:$0x1] =	stream.indirect.gather [hbm4b:s5+s6], $0x20, s29, s6, $0xb8;
	[tilespmem:$0x2800] =	vst v63  }
0x10c: {  	_ =	swait.ge [sflag:s11], $0x1000  }
0x10d: {  	[sflag:s11] =	ssyncset.done $0x0  }
0x10e: {  	[sflag:s11] =	ssyncadd.s32 $0xFFFFF000  }
0x10f: {  	[hbm4b:s30+s2] =	stream.linear.scatter [tilespmem:s8], [sflag:$0x3], $0x1000, $0x38;
	[tilespmem:$0x2800] =	vst v63  }
0x110: {  	_ =	swait.ge [sflag:s4], $0x1000  }
0x111: {  	[sflag:s4] =	ssyncset.done $0x0  }
0x112: {  	[sflag:s4] =	ssyncadd.s32 $0xFFFFF000  }
0x113: {  	[tilespmem:s8], [sflag:$0x2] =	stream.indirect.gather [hbm4b:s5+s6], $0x20, s31, s6, $0xb8;
	[tilespmem:$0x2800] =	vst v63  }
0x114: {  	_ =	swait.ge [sflag:s9], $0x1000  }
0x115: {  	[sflag:s9] =	ssyncset.done $0x0  }
0x116: {  	s0 =	rddreg [dreg:$0x6];
	[sflag:s9] =	ssyncadd.s32 $0xFFFFF000  }
0x117: {  	[hbm4b:s0+s2] =	stream.linear.scatter [tilespmem:s7], [sflag:$0x3], $0x1000, $0x38;
	[tilespmem:$0x2800] =	vst v63  }
0x118: {  	_ =	swait.ge [sflag:s4], $0x1000  }
0x119: {  	[sflag:s4] =	ssyncset.done $0x0  }
0x11a: {  	p0 =	sne.s32 s1, $0x1;
	[sflag:s4] =	ssyncadd.s32 $0xFFFFF000  }
.Ltmp1:
0x11b: {  	_ =	swait.ge [sflag:s11], $0x1000;
	(pc) =	sbr.rel @p0 .LBB2_1-.Ltmp1, $4  }
0x11c: {  	[sflag:s11] =	ssyncset.done $0x0  }
0x11d: {  	s0 =	rddreg [dreg:$0x7];
	[sflag:s11] =	ssyncadd.s32 $0xFFFFF000  }
0x11e: {  	[hbm4b:s0+s2] =	stream.linear.scatter [tilespmem:s8], [sflag:$0x3], $0x1000, $0x38;
	[tilespmem:$0x2800] =	vst v63  }
0x11f: {  	s1 =	sadd.s32 $0xFFFFFFFF, s1;
	_ =	swait.ge [sflag:s4], $0x1000  }
.LBB2_2:
0x120: {  	[sflag:s4] =	ssyncset.done $0x0  }
0x121: {  	[sflag:s4] =	ssyncadd.s32 $0xFFFFF000  }
0x122: {  	_ =	sfence.sel $0x180000  }
0x123: {  	[bflag:$0x0] =	sbarrier.arrive $0xFFFF  }
0x124: {  	_ =	strace $0x90000047  }
0x125: {  	s0 =	stileid.u32;
	[bflag:$0x2] =	sbarrier.arrive $0xFFFF  }
0x126: {  	p0 =	sne.s32 s0, $0x0;
	s0 =	rddreg [dreg:$0x3]  }
0x127: {  	s0 =	sadd.s32 @!p0 $0x100000, s0  }
0x128: {  	[sflag:s0] =	ssyncadd.tile.s32 @!p0 $0x1;
	_ =	shalt  }
.Lfunc_end2:
_tile_overlayer_lowered:
.L_overlay_start_2:
0x129: {  	(tag) =	ssettag $0x2  }
0x12a: {  	s0 =	rddreg [dreg:$0x0];
	s2 =	stileid.u32  }
0x12b: {  	s1 =	rddreg [dreg:$0x1];
	p0 =	sne.s32 s2, $0x0  }
0x12c: {  	s3 =	rddreg [dreg:$0x2];
	[bflag:$0x3] =	sbarrier.arrive $0xFFFF;
	s2 =	simm.s32 @!p0 $0x1C03  }
0x12d: {  	[timem:s3], [sflag:s2] =	dma.local @!p0 [hbm:s0], s1  }
0x12e: {  	s0 =	simm.s32 @!p0 $0x3  }
0x12f: {  	_ =	swait.ge @!p0 [sflag:s0], s1  }
0x130: {  	s1 =	ssub.s32 @!p0 $0x0, s1;
	[sflag:s0] =	ssyncset.done @!p0 $0x0  }
0x131: {  	[sflag:s0] =	ssyncadd.s32 @!p0 s1  }
0x132: {  	[bflag:$0x3] =	sbarrier.arrive $0xFFFF  }
0x133: {  	_ =	shalt  }

</sc_bundles>
